<compile_context>
chip_gen: v7x
topology: tpu7x:2x2x1
jax: 0.10.2.dev20260603
libtpu: 0.0.44.dev20260713+nightly
codegen_flags: <defaults>
</compile_context>

<pallas_src>
import functools

import jax
import jax.numpy as jnp
from jax import lax
from jax.experimental import pallas as pl
from jax.experimental.pallas import tpu as pltpu
from jax.experimental.pallas import tpu_sc as plsc

N_EMB = 1024
D = 64
B_IN = 16
HW_IN = 1024
N_TOK = B_IN * HW_IN
BLK = 4096
GRID = N_TOK // BLK

NC, NS = 2, 16
NW = NC * NS
TOK_PER_W = N_TOK // NW
IDX_CHUNK = 128
N_CHUNK = TOK_PER_W // IDX_CHUNK


def _tc_body(x_ref, cb_ref, idx_ref, loss_ref, acc_ref):
    i = pl.program_id(0)
    x = x_ref[...]
    cb = cb_ref[...]
    xn = jnp.sum(x * x, axis=1, keepdims=True)
    cn = jnp.sum(cb * cb, axis=0, keepdims=True)
    mm2 = jnp.dot(x * -2.0, cb, preferred_element_type=jnp.float32)
    d = (xn + cn) + mm2
    m = jnp.min(d, axis=1, keepdims=True)
    iota = lax.broadcasted_iota(jnp.int32, (BLK, N_EMB), 1)
    idx = jnp.min(jnp.where(d == m, iota, N_EMB), axis=1, keepdims=True)
    idx_ref[...] = idx.astype(jnp.int16)

    @pl.when(i == 0)
    def _init():
        acc_ref[0, 0] = 0.0

    acc_ref[0, 0] += jnp.sum(m)
    loss_ref[...] = jnp.full((1, 1), acc_ref[0, 0] * (1.0 / (N_TOK * D)),
                             jnp.float32)


def _sc_body(idx_hbm, table_hbm, out_hbm, hist_hbm, idx_v, rows_v, hist_v,
             sem):
    wid = lax.axis_index("s") * NC + lax.axis_index("c")
    pltpu.sync_copy(idx_hbm.at[pl.ds(wid * N_CHUNK, N_CHUNK)], idx_v)
    copies = []
    for j in range(N_CHUNK):
        copies.append(pltpu.async_copy(
            table_hbm.at[idx_v.at[j]],
            rows_v.at[pl.ds(j * IDX_CHUNK, IDX_CHUNK)],
            sem))

    zeros16 = jnp.zeros((16,), jnp.int32)
    for h in range(N_EMB // 16):
        hist_v[pl.ds(h * 16, 16)] = zeros16

    for j in range(N_CHUNK):
        for c in range(IDX_CHUNK // 16):
            v = idx_v[j, pl.ds(c * 16, 16)]
            cnt, last = plsc.scan_count(v)
            plsc.addupdate_scatter(hist_v, [v], cnt, mask=last)

    for c in copies:
        c.wait()
    pltpu.sync_copy(rows_v, out_hbm.at[pl.ds(wid * TOK_PER_W, TOK_PER_W)])
    pltpu.sync_copy(hist_v, hist_hbm.at[wid])


@functools.cache
def _sc_gather():
    return pl.kernel(
        _sc_body,
        out_type=[
            jax.ShapeDtypeStruct((N_TOK, D), jnp.float32),
            jax.ShapeDtypeStruct((NW, N_EMB), jnp.int32),
        ],
        mesh=plsc.VectorSubcoreMesh(core_axis_name="c", subcore_axis_name="s",
                                    num_cores=NC, num_subcores=NS),
        scratch_types=[
            pltpu.VMEM((N_CHUNK, IDX_CHUNK), jnp.int32),
            pltpu.VMEM((TOK_PER_W, D), jnp.float32),
            pltpu.VMEM((N_EMB,), jnp.int32),
            pltpu.SemaphoreType.DMA,
        ],
        compiler_params=pltpu.CompilerParams(use_tc_tiling_on_sc=False,
                                             needs_layout_passes=False),
    )


def _ppl_body(hist_ref, ppl_ref):
    counts = jnp.sum(hist_ref[...].astype(jnp.float32), axis=0,
                     keepdims=True)
    p = counts * (1.0 / N_TOK)
    ent = jnp.sum(p * jnp.log(p + 1e-10))
    ppl_ref[...] = jnp.full((1, 1), jnp.exp(-ent), jnp.float32)


def kernel(inputs, codebook):
    flat = inputs.reshape(N_TOK, D)
    idx, loss = pl.pallas_call(
        _tc_body,
        grid=(GRID,),
        in_specs=[
            pl.BlockSpec((BLK, D), lambda i: (i, 0)),
            pl.BlockSpec((D, N_EMB), lambda i: (0, 0)),
        ],
        out_specs=[
            pl.BlockSpec((BLK, 1), lambda i: (i, 0)),
            pl.BlockSpec((1, 1), lambda i: (0, 0)),
        ],
        out_shape=[
            jax.ShapeDtypeStruct((N_TOK, 1), jnp.int16),
            jax.ShapeDtypeStruct((1, 1), jnp.float32),
        ],
        scratch_shapes=[
            pltpu.SMEM((1, 1), jnp.float32),
        ],
        compiler_params=pltpu.CompilerParams(
            vmem_limit_bytes=120 * 1024 * 1024),
    )(flat, codebook)

    idx2 = idx.astype(jnp.int32).reshape(NW * N_CHUNK, IDX_CHUNK)
    qflat, hist = _sc_gather()(idx2, codebook.T)
    quantized = qflat.reshape(B_IN, HW_IN, D)

    ppl = pl.pallas_call(
        _ppl_body,
        out_shape=jax.ShapeDtypeStruct((1, 1), jnp.float32),
    )(hist)
    return quantized, loss[0, 0], ppl[0, 0]

# --- scband reference (transcript-rebuilt; emitter-appended) ---
"""Pipeline reference for scband-quantizer-3264175145006 (READ-ONLY COPY).

The authoritative reference and input builder live on the scoring server;
editing this copy changes nothing except your own understanding.
"""

import jax, jax.numpy as jnp
import numpy as np

NUM_EMBEDDINGS = 1024
EMBEDDINGS_DIM = 64
B, HW = 16, 1024

def setup_inputs(seed: int = 0) -> dict:
    key = jax.random.key(seed)
    k1, k2 = jax.random.split(key)
    inputs = jax.random.normal(k1, (B, HW, EMBEDDINGS_DIM), dtype=jnp.float32)
    # codebook buffer: shape (embeddings_dim, num_embeddings), uniform init as in torch
    codebook = jax.random.uniform(k2, (EMBEDDINGS_DIM, NUM_EMBEDDINGS), dtype=jnp.float32,
                                  minval=-1.0 / NUM_EMBEDDINGS, maxval=1.0 / NUM_EMBEDDINGS)
    return {"inputs": inputs, "codebook": codebook}

def reference(inputs, codebook):
    # eval-mode forward (self.training == False): no EMA codebook update
    flatten = inputs.reshape(-1, EMBEDDINGS_DIM)
    # distance(): ||x||^2 + ||c||^2 - 2 x @ c   (addmm with alpha=-2)
    inputs_norm_sq = jnp.sum(flatten ** 2.0, axis=1, keepdims=True)
    codebook_t_norm_sq = jnp.sum(codebook ** 2.0, axis=0, keepdims=True)
    distances = (inputs_norm_sq + codebook_t_norm_sq) - 2.0 * jnp.matmul(flatten, codebook)
    nearest_codebook_indices = jnp.argmin(distances, axis=-1)
    one_hot = jax.nn.one_hot(nearest_codebook_indices, NUM_EMBEDDINGS, dtype=inputs.dtype)
    avg_probs = one_hot.astype(jnp.float32).mean(axis=0)
    perplexity = jnp.exp(-jnp.sum(avg_probs * jnp.log(avg_probs + 1e-10)))
    quantized = jnp.matmul(one_hot, codebook.T).reshape(inputs.shape)
    commitment_loss = jnp.mean((jax.lax.stop_gradient(quantized) - inputs) ** 2.0)
    quantized = inputs + jax.lax.stop_gradient(quantized - inputs)
    return (quantized, commitment_loss, perplexity)

if __name__ == "__main__":
    import jax
    _d = setup_inputs()
    print(jax.jit(kernel)(*tuple(_d.values())))

</pallas_src>

<mosaic_0001>
#map = affine_map<(d0, d1) -> (0, 0)>
module attributes {stable_mosaic.version = 14 : i64} {
  func.func @_sc_body(%arg0: i32, %arg1: i32, %arg2: memref<128x128xi32, #tpu.memory_space<hbm>>, %arg3: memref<1024x64xf32, #tpu.memory_space<hbm>>, %arg4: memref<16384x64xf32, #tpu.memory_space<hbm>>, %arg5: memref<32x1024xi32, #tpu.memory_space<hbm>>, %arg6: memref<4x128xi32, #tpu.memory_space<vmem>>, %arg7: memref<512x64xf32, #tpu.memory_space<vmem>>, %arg8: memref<1024xi32, #tpu.memory_space<vmem>>, %arg9: memref<!tpu.dma_semaphore, #tpu.memory_space<semaphore_mem>>) attributes {dimension_semantics = [#tpu.dimension_semantics<core_parallel>, #tpu.dimension_semantics<subcore_parallel>], iteration_bounds = array<i64: 2, 16>, scalar_prefetch = 0 : i64, scratch_operands = 4 : i64, tpu.core_type = #tpu.core_type<sc_vector_subcore>, window_params = [{transform_indices = #map}, {transform_indices = #map}, {transform_indices = #map}, {transform_indices = #map}]} {
    %mul3A = arith.constant 2 : i32
    %mul3A_0 = arith.muli %arg1, %mul3A : i32
    %add3A = arith.addi %mul3A_0, %arg0 : i32
    %mul3A_1 = arith.constant 4 : i32
    %mul3A_2 = arith.muli %add3A, %mul3A_1 : i32
    "tpu.region"() ({
      %run_scoped3A = tpu.sem_alloc : memref<!tpu.dma_semaphore, #tpu.memory_space<semaphore_mem>>
      %dma_start3A_465 = arith.constant 0 : i32
      %dma_start3A_466 = tpu.memref_slice %arg2[%mul3A_2, %dma_start3A_465] : memref<128x128xi32, #tpu.memory_space<hbm>> -> memref<4x128xi32, #tpu.memory_space<hbm>>
      %dma_start3A_467 = arith.constant 0 : i32
      %dma_start3A_468 = tpu.memref_slice %arg2[%mul3A_2, %dma_start3A_467] : memref<128x128xi32, #tpu.memory_space<hbm>> -> memref<4x128xi32, #tpu.memory_space<hbm>>
      tpu.enqueue_dma source(%dma_start3A_468 : memref<4x128xi32, #tpu.memory_space<hbm>>) target(%arg6 : memref<4x128xi32, #tpu.memory_space<vmem>>) target_semaphore(%run_scoped3A : memref<!tpu.dma_semaphore, #tpu.memory_space<semaphore_mem>>)
      %dma_wait3A_469 = arith.constant 0 : i32
      %dma_wait3A_470 = tpu.memref_slice %arg2[%mul3A_2, %dma_wait3A_469] : memref<128x128xi32, #tpu.memory_space<hbm>> -> memref<4x128xi32, #tpu.memory_space<hbm>>
      %dma_wait3A_471 = arith.constant 0 : i32
      %dma_wait3A_472 = tpu.memref_slice %arg2[%mul3A_2, %dma_wait3A_471] : memref<128x128xi32, #tpu.memory_space<hbm>> -> memref<4x128xi32, #tpu.memory_space<hbm>>
      tpu.wait_dma2 semaphore(%run_scoped3A : memref<!tpu.dma_semaphore, #tpu.memory_space<semaphore_mem>>) src(%dma_wait3A_472 : memref<4x128xi32, #tpu.memory_space<hbm>>) dst(%arg6 : memref<4x128xi32, #tpu.memory_space<vmem>>)
      tpu.yield
    }) : () -> ()
    %dma_start3A = arith.constant 0 : i32
    %dma_start3A_3 = arith.constant 0 : i32
    %dma_start3A_4 = arith.constant 0 : i32
    %dma_start3A_5 = tpu.memref_slice %arg7[%dma_start3A_3, %dma_start3A_4] : memref<512x64xf32, #tpu.memory_space<vmem>> -> memref<128x64xf32, #tpu.memory_space<vmem>>
    %dma_start3A_6 = arith.constant 0 : i32
    %dma_start3A_7 = tpu.memref_slice %arg6[%dma_start3A, %dma_start3A_6] : memref<4x128xi32, #tpu.memory_space<vmem>> -> memref<1x128xi32, #tpu.memory_space<vmem>>
    %dma_start3A_8 = tpu.memref_squeeze %dma_start3A_7 : memref<1x128xi32, #tpu.memory_space<vmem>> -> memref<128xi32, #tpu.memory_space<vmem>>
    %dma_start3A_9 = arith.constant 0 : i32
    %dma_start3A_10 = arith.constant 0 : i32
    %dma_start3A_11 = tpu.memref_slice %arg3[%dma_start3A_9, %dma_start3A_10] : memref<1024x64xf32, #tpu.memory_space<hbm>> -> memref<1024x64xf32, #tpu.memory_space<hbm>>
    tpu.enqueue_indirect_dma source(%dma_start3A_11 : memref<1024x64xf32, #tpu.memory_space<hbm>>) target(%dma_start3A_5 : memref<128x64xf32, #tpu.memory_space<vmem>>) offsets(%dma_start3A_8 : memref<128xi32, #tpu.memory_space<vmem>>) semaphore(%arg9 : memref<!tpu.dma_semaphore, #tpu.memory_space<semaphore_mem>>)
    %dma_start3A_12 = arith.constant 1 : i32
    %dma_start3A_13 = arith.constant 128 : i32
    %dma_start3A_14 = arith.constant 0 : i32
    %dma_start3A_15 = tpu.memref_slice %arg7[%dma_start3A_13, %dma_start3A_14] : memref<512x64xf32, #tpu.memory_space<vmem>> -> memref<128x64xf32, #tpu.memory_space<vmem>>
    %dma_start3A_16 = arith.constant 0 : i32
    %dma_start3A_17 = tpu.memref_slice %arg6[%dma_start3A_12, %dma_start3A_16] : memref<4x128xi32, #tpu.memory_space<vmem>> -> memref<1x128xi32, #tpu.memory_space<vmem>>
    %dma_start3A_18 = tpu.memref_squeeze %dma_start3A_17 : memref<1x128xi32, #tpu.memory_space<vmem>> -> memref<128xi32, #tpu.memory_space<vmem>>
    %dma_start3A_19 = arith.constant 0 : i32
    %dma_start3A_20 = arith.constant 0 : i32
    %dma_start3A_21 = tpu.memref_slice %arg3[%dma_start3A_19, %dma_start3A_20] : memref<1024x64xf32, #tpu.memory_space<hbm>> -> memref<1024x64xf32, #tpu.memory_space<hbm>>
    tpu.enqueue_indirect_dma source(%dma_start3A_21 : memref<1024x64xf32, #tpu.memory_space<hbm>>) target(%dma_start3A_15 : memref<128x64xf32, #tpu.memory_space<vmem>>) offsets(%dma_start3A_18 : memref<128xi32, #tpu.memory_space<vmem>>) semaphore(%arg9 : memref<!tpu.dma_semaphore, #tpu.memory_space<semaphore_mem>>)
    %dma_start3A_22 = arith.constant 2 : i32
    %dma_start3A_23 = arith.constant 256 : i32
    %dma_start3A_24 = arith.constant 0 : i32
    %dma_start3A_25 = tpu.memref_slice %arg7[%dma_start3A_23, %dma_start3A_24] : memref<512x64xf32, #tpu.memory_space<vmem>> -> memref<128x64xf32, #tpu.memory_space<vmem>>
    %dma_start3A_26 = arith.constant 0 : i32
    %dma_start3A_27 = tpu.memref_slice %arg6[%dma_start3A_22, %dma_start3A_26] : memref<4x128xi32, #tpu.memory_space<vmem>> -> memref<1x128xi32, #tpu.memory_space<vmem>>
    %dma_start3A_28 = tpu.memref_squeeze %dma_start3A_27 : memref<1x128xi32, #tpu.memory_space<vmem>> -> memref<128xi32, #tpu.memory_space<vmem>>
    %dma_start3A_29 = arith.constant 0 : i32
    %dma_start3A_30 = arith.constant 0 : i32
    %dma_start3A_31 = tpu.memref_slice %arg3[%dma_start3A_29, %dma_start3A_30] : memref<1024x64xf32, #tpu.memory_space<hbm>> -> memref<1024x64xf32, #tpu.memory_space<hbm>>
    tpu.enqueue_indirect_dma source(%dma_start3A_31 : memref<1024x64xf32, #tpu.memory_space<hbm>>) target(%dma_start3A_25 : memref<128x64xf32, #tpu.memory_space<vmem>>) offsets(%dma_start3A_28 : memref<128xi32, #tpu.memory_space<vmem>>) semaphore(%arg9 : memref<!tpu.dma_semaphore, #tpu.memory_space<semaphore_mem>>)
    %dma_start3A_32 = arith.constant 3 : i32
    %dma_start3A_33 = arith.constant 384 : i32
    %dma_start3A_34 = arith.constant 0 : i32
    %dma_start3A_35 = tpu.memref_slice %arg7[%dma_start3A_33, %dma_start3A_34] : memref<512x64xf32, #tpu.memory_space<vmem>> -> memref<128x64xf32, #tpu.memory_space<vmem>>
    %dma_start3A_36 = arith.constant 0 : i32
    %dma_start3A_37 = tpu.memref_slice %arg6[%dma_start3A_32, %dma_start3A_36] : memref<4x128xi32, #tpu.memory_space<vmem>> -> memref<1x128xi32, #tpu.memory_space<vmem>>
    %dma_start3A_38 = tpu.memref_squeeze %dma_start3A_37 : memref<1x128xi32, #tpu.memory_space<vmem>> -> memref<128xi32, #tpu.memory_space<vmem>>
    %dma_start3A_39 = arith.constant 0 : i32
    %dma_start3A_40 = arith.constant 0 : i32
    %dma_start3A_41 = tpu.memref_slice %arg3[%dma_start3A_39, %dma_start3A_40] : memref<1024x64xf32, #tpu.memory_space<hbm>> -> memref<1024x64xf32, #tpu.memory_space<hbm>>
    tpu.enqueue_indirect_dma source(%dma_start3A_41 : memref<1024x64xf32, #tpu.memory_space<hbm>>) target(%dma_start3A_35 : memref<128x64xf32, #tpu.memory_space<vmem>>) offsets(%dma_start3A_38 : memref<128xi32, #tpu.memory_space<vmem>>) semaphore(%arg9 : memref<!tpu.dma_semaphore, #tpu.memory_space<semaphore_mem>>)
    %broadcast_in_dim3A = arith.constant 0 : i32
    %broadcast_in_dim3A_42 = vector.broadcast %broadcast_in_dim3A : i32 to vector<16xi32>
    %swap3A = arith.constant 0 : index
    %swap3A_43 = tpu.vector_load %arg8[%swap3A] {strides = array<i32>} : memref<1024xi32, #tpu.memory_space<vmem>>, vector<16xi32>,
    tpu.vector_store %arg8[%swap3A], %broadcast_in_dim3A_42 {strides = array<i32>} : memref<1024xi32, #tpu.memory_space<vmem>>, vector<16xi32>,
    %swap3A_44 = arith.constant 16 : index
    %swap3A_45 = tpu.vector_load %arg8[%swap3A_44] {strides = array<i32>} : memref<1024xi32, #tpu.memory_space<vmem>>, vector<16xi32>,
    tpu.vector_store %arg8[%swap3A_44], %broadcast_in_dim3A_42 {strides = array<i32>} : memref<1024xi32, #tpu.memory_space<vmem>>, vector<16xi32>,
    %swap3A_46 = arith.constant 32 : index
    %swap3A_47 = tpu.vector_load %arg8[%swap3A_46] {strides = array<i32>} : memref<1024xi32, #tpu.memory_space<vmem>>, vector<16xi32>,
    tpu.vector_store %arg8[%swap3A_46], %broadcast_in_dim3A_42 {strides = array<i32>} : memref<1024xi32, #tpu.memory_space<vmem>>, vector<16xi32>,
    %swap3A_48 = arith.constant 48 : index
    %swap3A_49 = tpu.vector_load %arg8[%swap3A_48] {strides = array<i32>} : memref<1024xi32, #tpu.memory_space<vmem>>, vector<16xi32>,
    tpu.vector_store %arg8[%swap3A_48], %broadcast_in_dim3A_42 {strides = array<i32>} : memref<1024xi32, #tpu.memory_space<vmem>>, vector<16xi32>,
    %swap3A_50 = arith.constant 64 : index
    %swap3A_51 = tpu.vector_load %arg8[%swap3A_50] {strides = array<i32>} : memref<1024xi32, #tpu.memory_space<vmem>>, vector<16xi32>,
    tpu.vector_store %arg8[%swap3A_50], %broadcast_in_dim3A_42 {strides = array<i32>} : memref<1024xi32, #tpu.memory_space<vmem>>, vector<16xi32>,
    %swap3A_52 = arith.constant 80 : index
    %swap3A_53 = tpu.vector_load %arg8[%swap3A_52] {strides = array<i32>} : memref<1024xi32, #tpu.memory_space<vmem>>, vector<16xi32>,
    tpu.vector_store %arg8[%swap3A_52], %broadcast_in_dim3A_42 {strides = array<i32>} : memref<1024xi32, #tpu.memory_space<vmem>>, vector<16xi32>,
    %swap3A_54 = arith.constant 96 : index
    %swap3A_55 = tpu.vector_load %arg8[%swap3A_54] {strides = array<i32>} : memref<1024xi32, #tpu.memory_space<vmem>>, vector<16xi32>,
    tpu.vector_store %arg8[%swap3A_54], %broadcast_in_dim3A_42 {strides = array<i32>} : memref<1024xi32, #tpu.memory_space<vmem>>, vector<16xi32>,
    %swap3A_56 = arith.constant 112 : index
    %swap3A_57 = tpu.vector_load %arg8[%swap3A_56] {strides = array<i32>} : memref<1024xi32, #tpu.memory_space<vmem>>, vector<16xi32>,
    tpu.vector_store %arg8[%swap3A_56], %broadcast_in_dim3A_42 {strides = array<i32>} : memref<1024xi32, #tpu.memory_space<vmem>>, vector<16xi32>,
    %swap3A_58 = arith.constant 128 : index
    %swap3A_59 = tpu.vector_load %arg8[%swap3A_58] {strides = array<i32>} : memref<1024xi32, #tpu.memory_space<vmem>>, vector<16xi32>,
    tpu.vector_store %arg8[%swap3A_58], %broadcast_in_dim3A_42 {strides = array<i32>} : memref<1024xi32, #tpu.memory_space<vmem>>, vector<16xi32>,
    %swap3A_60 = arith.constant 144 : index
    %swap3A_61 = tpu.vector_load %arg8[%swap3A_60] {strides = array<i32>} : memref<1024xi32, #tpu.memory_space<vmem>>, vector<16xi32>,
    tpu.vector_store %arg8[%swap3A_60], %broadcast_in_dim3A_42 {strides = array<i32>} : memref<1024xi32, #tpu.memory_space<vmem>>, vector<16xi32>,
    %swap3A_62 = arith.constant 160 : index
    %swap3A_63 = tpu.vector_load %arg8[%swap3A_62] {strides = array<i32>} : memref<1024xi32, #tpu.memory_space<vmem>>, vector<16xi32>,
    tpu.vector_store %arg8[%swap3A_62], %broadcast_in_dim3A_42 {strides = array<i32>} : memref<1024xi32, #tpu.memory_space<vmem>>, vector<16xi32>,
    %swap3A_64 = arith.constant 176 : index
    %swap3A_65 = tpu.vector_load %arg8[%swap3A_64] {strides = array<i32>} : memref<1024xi32, #tpu.memory_space<vmem>>, vector<16xi32>,
    tpu.vector_store %arg8[%swap3A_64], %broadcast_in_dim3A_42 {strides = array<i32>} : memref<1024xi32, #tpu.memory_space<vmem>>, vector<16xi32>,
    %swap3A_66 = arith.constant 192 : index
    %swap3A_67 = tpu.vector_load %arg8[%swap3A_66] {strides = array<i32>} : memref<1024xi32, #tpu.memory_space<vmem>>, vector<16xi32>,
    tpu.vector_store %arg8[%swap3A_66], %broadcast_in_dim3A_42 {strides = array<i32>} : memref<1024xi32, #tpu.memory_space<vmem>>, vector<16xi32>,
    %swap3A_68 = arith.constant 208 : index
    %swap3A_69 = tpu.vector_load %arg8[%swap3A_68] {strides = array<i32>} : memref<1024xi32, #tpu.memory_space<vmem>>, vector<16xi32>,
    tpu.vector_store %arg8[%swap3A_68], %broadcast_in_dim3A_42 {strides = array<i32>} : memref<1024xi32, #tpu.memory_space<vmem>>, vector<16xi32>,
    %swap3A_70 = arith.constant 224 : index
    %swap3A_71 = tpu.vector_load %arg8[%swap3A_70] {strides = array<i32>} : memref<1024xi32, #tpu.memory_space<vmem>>, vector<16xi32>,
    tpu.vector_store %arg8[%swap3A_70], %broadcast_in_dim3A_42 {strides = array<i32>} : memref<1024xi32, #tpu.memory_space<vmem>>, vector<16xi32>,
    %swap3A_72 = arith.constant 240 : index
    %swap3A_73 = tpu.vector_load %arg8[%swap3A_72] {strides = array<i32>} : memref<1024xi32, #tpu.memory_space<vmem>>, vector<16xi32>,
    tpu.vector_store %arg8[%swap3A_72], %broadcast_in_dim3A_42 {strides = array<i32>} : memref<1024xi32, #tpu.memory_space<vmem>>, vector<16xi32>,
    %swap3A_74 = arith.constant 256 : index
    %swap3A_75 = tpu.vector_load %arg8[%swap3A_74] {strides = array<i32>} : memref<1024xi32, #tpu.memory_space<vmem>>, vector<16xi32>,
    tpu.vector_store %arg8[%swap3A_74], %broadcast_in_dim3A_42 {strides = array<i32>} : memref<1024xi32, #tpu.memory_space<vmem>>, vector<16xi32>,
    %swap3A_76 = arith.constant 272 : index
    %swap3A_77 = tpu.vector_load %arg8[%swap3A_76] {strides = array<i32>} : memref<1024xi32, #tpu.memory_space<vmem>>, vector<16xi32>,
    tpu.vector_store %arg8[%swap3A_76], %broadcast_in_dim3A_42 {strides = array<i32>} : memref<1024xi32, #tpu.memory_space<vmem>>, vector<16xi32>,
    %swap3A_78 = arith.constant 288 : index
    %swap3A_79 = tpu.vector_load %arg8[%swap3A_78] {strides = array<i32>} : memref<1024xi32, #tpu.memory_space<vmem>>, vector<16xi32>,
    tpu.vector_store %arg8[%swap3A_78], %broadcast_in_dim3A_42 {strides = array<i32>} : memref<1024xi32, #tpu.memory_space<vmem>>, vector<16xi32>,
    %swap3A_80 = arith.constant 304 : index
    %swap3A_81 = tpu.vector_load %arg8[%swap3A_80] {strides = array<i32>} : memref<1024xi32, #tpu.memory_space<vmem>>, vector<16xi32>,
    tpu.vector_store %arg8[%swap3A_80], %broadcast_in_dim3A_42 {strides = array<i32>} : memref<1024xi32, #tpu.memory_space<vmem>>, vector<16xi32>,
    %swap3A_82 = arith.constant 320 : index
    %swap3A_83 = tpu.vector_load %arg8[%swap3A_82] {strides = array<i32>} : memref<1024xi32, #tpu.memory_space<vmem>>, vector<16xi32>,
    tpu.vector_store %arg8[%swap3A_82], %broadcast_in_dim3A_42 {strides = array<i32>} : memref<1024xi32, #tpu.memory_space<vmem>>, vector<16xi32>,
    %swap3A_84 = arith.constant 336 : index
    %swap3A_85 = tpu.vector_load %arg8[%swap3A_84] {strides = array<i32>} : memref<1024xi32, #tpu.memory_space<vmem>>, vector<16xi32>,
    tpu.vector_store %arg8[%swap3A_84], %broadcast_in_dim3A_42 {strides = array<i32>} : memref<1024xi32, #tpu.memory_space<vmem>>, vector<16xi32>,
    %swap3A_86 = arith.constant 352 : index
    %swap3A_87 = tpu.vector_load %arg8[%swap3A_86] {strides = array<i32>} : memref<1024xi32, #tpu.memory_space<vmem>>, vector<16xi32>,
    tpu.vector_store %arg8[%swap3A_86], %broadcast_in_dim3A_42 {strides = array<i32>} : memref<1024xi32, #tpu.memory_space<vmem>>, vector<16xi32>,
    %swap3A_88 = arith.constant 368 : index
    %swap3A_89 = tpu.vector_load %arg8[%swap3A_88] {strides = array<i32>} : memref<1024xi32, #tpu.memory_space<vmem>>, vector<16xi32>,
    tpu.vector_store %arg8[%swap3A_88], %broadcast_in_dim3A_42 {strides = array<i32>} : memref<1024xi32, #tpu.memory_space<vmem>>, vector<16xi32>,
    %swap3A_90 = arith.constant 384 : index
    %swap3A_91 = tpu.vector_load %arg8[%swap3A_90] {strides = array<i32>} : memref<1024xi32, #tpu.memory_space<vmem>>, vector<16xi32>,
    tpu.vector_store %arg8[%swap3A_90], %broadcast_in_dim3A_42 {strides = array<i32>} : memref<1024xi32, #tpu.memory_space<vmem>>, vector<16xi32>,
    %swap3A_92 = arith.constant 400 : index
    %swap3A_93 = tpu.vector_load %arg8[%swap3A_92] {strides = array<i32>} : memref<1024xi32, #tpu.memory_space<vmem>>, vector<16xi32>,
    tpu.vector_store %arg8[%swap3A_92], %broadcast_in_dim3A_42 {strides = array<i32>} : memref<1024xi32, #tpu.memory_space<vmem>>, vector<16xi32>,
    %swap3A_94 = arith.constant 416 : index
    %swap3A_95 = tpu.vector_load %arg8[%swap3A_94] {strides = array<i32>} : memref<1024xi32, #tpu.memory_space<vmem>>, vector<16xi32>,
    tpu.vector_store %arg8[%swap3A_94], %broadcast_in_dim3A_42 {strides = array<i32>} : memref<1024xi32, #tpu.memory_space<vmem>>, vector<16xi32>,
    %swap3A_96 = arith.constant 432 : index
    %swap3A_97 = tpu.vector_load %arg8[%swap3A_96] {strides = array<i32>} : memref<1024xi32, #tpu.memory_space<vmem>>, vector<16xi32>,
    tpu.vector_store %arg8[%swap3A_96], %broadcast_in_dim3A_42 {strides = array<i32>} : memref<1024xi32, #tpu.memory_space<vmem>>, vector<16xi32>,
    %swap3A_98 = arith.constant 448 : index
    %swap3A_99 = tpu.vector_load %arg8[%swap3A_98] {strides = array<i32>} : memref<1024xi32, #tpu.memory_space<vmem>>, vector<16xi32>,
    tpu.vector_store %arg8[%swap3A_98], %broadcast_in_dim3A_42 {strides = array<i32>} : memref<1024xi32, #tpu.memory_space<vmem>>, vector<16xi32>,
    %swap3A_100 = arith.constant 464 : index
    %swap3A_101 = tpu.vector_load %arg8[%swap3A_100] {strides = array<i32>} : memref<1024xi32, #tpu.memory_space<vmem>>, vector<16xi32>,
    tpu.vector_store %arg8[%swap3A_100], %broadcast_in_dim3A_42 {strides = array<i32>} : memref<1024xi32, #tpu.memory_space<vmem>>, vector<16xi32>,
    %swap3A_102 = arith.constant 480 : index
    %swap3A_103 = tpu.vector_load %arg8[%swap3A_102] {strides = array<i32>} : memref<1024xi32, #tpu.memory_space<vmem>>, vector<16xi32>,
    tpu.vector_store %arg8[%swap3A_102], %broadcast_in_dim3A_42 {strides = array<i32>} : memref<1024xi32, #tpu.memory_space<vmem>>, vector<16xi32>,
    %swap3A_104 = arith.constant 496 : index
    %swap3A_105 = tpu.vector_load %arg8[%swap3A_104] {strides = array<i32>} : memref<1024xi32, #tpu.memory_space<vmem>>, vector<16xi32>,
    tpu.vector_store %arg8[%swap3A_104], %broadcast_in_dim3A_42 {strides = array<i32>} : memref<1024xi32, #tpu.memory_space<vmem>>, vector<16xi32>,
    %swap3A_106 = arith.constant 512 : index
    %swap3A_107 = tpu.vector_load %arg8[%swap3A_106] {strides = array<i32>} : memref<1024xi32, #tpu.memory_space<vmem>>, vector<16xi32>,
    tpu.vector_store %arg8[%swap3A_106], %broadcast_in_dim3A_42 {strides = array<i32>} : memref<1024xi32, #tpu.memory_space<vmem>>, vector<16xi32>,
    %swap3A_108 = arith.constant 528 : index
    %swap3A_109 = tpu.vector_load %arg8[%swap3A_108] {strides = array<i32>} : memref<1024xi32, #tpu.memory_space<vmem>>, vector<16xi32>,
    tpu.vector_store %arg8[%swap3A_108], %broadcast_in_dim3A_42 {strides = array<i32>} : memref<1024xi32, #tpu.memory_space<vmem>>, vector<16xi32>,
    %swap3A_110 = arith.constant 544 : index
    %swap3A_111 = tpu.vector_load %arg8[%swap3A_110] {strides = array<i32>} : memref<1024xi32, #tpu.memory_space<vmem>>, vector<16xi32>,
    tpu.vector_store %arg8[%swap3A_110], %broadcast_in_dim3A_42 {strides = array<i32>} : memref<1024xi32, #tpu.memory_space<vmem>>, vector<16xi32>,
    %swap3A_112 = arith.constant 560 : index
    %swap3A_113 = tpu.vector_load %arg8[%swap3A_112] {strides = array<i32>} : memref<1024xi32, #tpu.memory_space<vmem>>, vector<16xi32>,
    tpu.vector_store %arg8[%swap3A_112], %broadcast_in_dim3A_42 {strides = array<i32>} : memref<1024xi32, #tpu.memory_space<vmem>>, vector<16xi32>,
    %swap3A_114 = arith.constant 576 : index
    %swap3A_115 = tpu.vector_load %arg8[%swap3A_114] {strides = array<i32>} : memref<1024xi32, #tpu.memory_space<vmem>>, vector<16xi32>,
    tpu.vector_store %arg8[%swap3A_114], %broadcast_in_dim3A_42 {strides = array<i32>} : memref<1024xi32, #tpu.memory_space<vmem>>, vector<16xi32>,
    %swap3A_116 = arith.constant 592 : index
    %swap3A_117 = tpu.vector_load %arg8[%swap3A_116] {strides = array<i32>} : memref<1024xi32, #tpu.memory_space<vmem>>, vector<16xi32>,
    tpu.vector_store %arg8[%swap3A_116], %broadcast_in_dim3A_42 {strides = array<i32>} : memref<1024xi32, #tpu.memory_space<vmem>>, vector<16xi32>,
    %swap3A_118 = arith.constant 608 : index
    %swap3A_119 = tpu.vector_load %arg8[%swap3A_118] {strides = array<i32>} : memref<1024xi32, #tpu.memory_space<vmem>>, vector<16xi32>,
    tpu.vector_store %arg8[%swap3A_118], %broadcast_in_dim3A_42 {strides = array<i32>} : memref<1024xi32, #tpu.memory_space<vmem>>, vector<16xi32>,
    %swap3A_120 = arith.constant 624 : index
    %swap3A_121 = tpu.vector_load %arg8[%swap3A_120] {strides = array<i32>} : memref<1024xi32, #tpu.memory_space<vmem>>, vector<16xi32>,
    tpu.vector_store %arg8[%swap3A_120], %broadcast_in_dim3A_42 {strides = array<i32>} : memref<1024xi32, #tpu.memory_space<vmem>>, vector<16xi32>,
    %swap3A_122 = arith.constant 640 : index
    %swap3A_123 = tpu.vector_load %arg8[%swap3A_122] {strides = array<i32>} : memref<1024xi32, #tpu.memory_space<vmem>>, vector<16xi32>,
    tpu.vector_store %arg8[%swap3A_122], %broadcast_in_dim3A_42 {strides = array<i32>} : memref<1024xi32, #tpu.memory_space<vmem>>, vector<16xi32>,
    %swap3A_124 = arith.constant 656 : index
    %swap3A_125 = tpu.vector_load %arg8[%swap3A_124] {strides = array<i32>} : memref<1024xi32, #tpu.memory_space<vmem>>, vector<16xi32>,
    tpu.vector_store %arg8[%swap3A_124], %broadcast_in_dim3A_42 {strides = array<i32>} : memref<1024xi32, #tpu.memory_space<vmem>>, vector<16xi32>,
    %swap3A_126 = arith.constant 672 : index
    %swap3A_127 = tpu.vector_load %arg8[%swap3A_126] {strides = array<i32>} : memref<1024xi32, #tpu.memory_space<vmem>>, vector<16xi32>,
    tpu.vector_store %arg8[%swap3A_126], %broadcast_in_dim3A_42 {strides = array<i32>} : memref<1024xi32, #tpu.memory_space<vmem>>, vector<16xi32>,
    %swap3A_128 = arith.constant 688 : index
    %swap3A_129 = tpu.vector_load %arg8[%swap3A_128] {strides = array<i32>} : memref<1024xi32, #tpu.memory_space<vmem>>, vector<16xi32>,
    tpu.vector_store %arg8[%swap3A_128], %broadcast_in_dim3A_42 {strides = array<i32>} : memref<1024xi32, #tpu.memory_space<vmem>>, vector<16xi32>,
    %swap3A_130 = arith.constant 704 : index
    %swap3A_131 = tpu.vector_load %arg8[%swap3A_130] {strides = array<i32>} : memref<1024xi32, #tpu.memory_space<vmem>>, vector<16xi32>,
    tpu.vector_store %arg8[%swap3A_130], %broadcast_in_dim3A_42 {strides = array<i32>} : memref<1024xi32, #tpu.memory_space<vmem>>, vector<16xi32>,
    %swap3A_132 = arith.constant 720 : index
    %swap3A_133 = tpu.vector_load %arg8[%swap3A_132] {strides = array<i32>} : memref<1024xi32, #tpu.memory_space<vmem>>, vector<16xi32>,
    tpu.vector_store %arg8[%swap3A_132], %broadcast_in_dim3A_42 {strides = array<i32>} : memref<1024xi32, #tpu.memory_space<vmem>>, vector<16xi32>,
    %swap3A_134 = arith.constant 736 : index
    %swap3A_135 = tpu.vector_load %arg8[%swap3A_134] {strides = array<i32>} : memref<1024xi32, #tpu.memory_space<vmem>>, vector<16xi32>,
    tpu.vector_store %arg8[%swap3A_134], %broadcast_in_dim3A_42 {strides = array<i32>} : memref<1024xi32, #tpu.memory_space<vmem>>, vector<16xi32>,
    %swap3A_136 = arith.constant 752 : index
    %swap3A_137 = tpu.vector_load %arg8[%swap3A_136] {strides = array<i32>} : memref<1024xi32, #tpu.memory_space<vmem>>, vector<16xi32>,
    tpu.vector_store %arg8[%swap3A_136], %broadcast_in_dim3A_42 {strides = array<i32>} : memref<1024xi32, #tpu.memory_space<vmem>>, vector<16xi32>,
    %swap3A_138 = arith.constant 768 : index
    %swap3A_139 = tpu.vector_load %arg8[%swap3A_138] {strides = array<i32>} : memref<1024xi32, #tpu.memory_space<vmem>>, vector<16xi32>,
    tpu.vector_store %arg8[%swap3A_138], %broadcast_in_dim3A_42 {strides = array<i32>} : memref<1024xi32, #tpu.memory_space<vmem>>, vector<16xi32>,
    %swap3A_140 = arith.constant 784 : index
    %swap3A_141 = tpu.vector_load %arg8[%swap3A_140] {strides = array<i32>} : memref<1024xi32, #tpu.memory_space<vmem>>, vector<16xi32>,
    tpu.vector_store %arg8[%swap3A_140], %broadcast_in_dim3A_42 {strides = array<i32>} : memref<1024xi32, #tpu.memory_space<vmem>>, vector<16xi32>,
    %swap3A_142 = arith.constant 800 : index
    %swap3A_143 = tpu.vector_load %arg8[%swap3A_142] {strides = array<i32>} : memref<1024xi32, #tpu.memory_space<vmem>>, vector<16xi32>,
    tpu.vector_store %arg8[%swap3A_142], %broadcast_in_dim3A_42 {strides = array<i32>} : memref<1024xi32, #tpu.memory_space<vmem>>, vector<16xi32>,
    %swap3A_144 = arith.constant 816 : index
    %swap3A_145 = tpu.vector_load %arg8[%swap3A_144] {strides = array<i32>} : memref<1024xi32, #tpu.memory_space<vmem>>, vector<16xi32>,
    tpu.vector_store %arg8[%swap3A_144], %broadcast_in_dim3A_42 {strides = array<i32>} : memref<1024xi32, #tpu.memory_space<vmem>>, vector<16xi32>,
    %swap3A_146 = arith.constant 832 : index
    %swap3A_147 = tpu.vector_load %arg8[%swap3A_146] {strides = array<i32>} : memref<1024xi32, #tpu.memory_space<vmem>>, vector<16xi32>,
    tpu.vector_store %arg8[%swap3A_146], %broadcast_in_dim3A_42 {strides = array<i32>} : memref<1024xi32, #tpu.memory_space<vmem>>, vector<16xi32>,
    %swap3A_148 = arith.constant 848 : index
    %swap3A_149 = tpu.vector_load %arg8[%swap3A_148] {strides = array<i32>} : memref<1024xi32, #tpu.memory_space<vmem>>, vector<16xi32>,
    tpu.vector_store %arg8[%swap3A_148], %broadcast_in_dim3A_42 {strides = array<i32>} : memref<1024xi32, #tpu.memory_space<vmem>>, vector<16xi32>,
    %swap3A_150 = arith.constant 864 : index
    %swap3A_151 = tpu.vector_load %arg8[%swap3A_150] {strides = array<i32>} : memref<1024xi32, #tpu.memory_space<vmem>>, vector<16xi32>,
    tpu.vector_store %arg8[%swap3A_150], %broadcast_in_dim3A_42 {strides = array<i32>} : memref<1024xi32, #tpu.memory_space<vmem>>, vector<16xi32>,
    %swap3A_152 = arith.constant 880 : index
    %swap3A_153 = tpu.vector_load %arg8[%swap3A_152] {strides = array<i32>} : memref<1024xi32, #tpu.memory_space<vmem>>, vector<16xi32>,
    tpu.vector_store %arg8[%swap3A_152], %broadcast_in_dim3A_42 {strides = array<i32>} : memref<1024xi32, #tpu.memory_space<vmem>>, vector<16xi32>,
    %swap3A_154 = arith.constant 896 : index
    %swap3A_155 = tpu.vector_load %arg8[%swap3A_154] {strides = array<i32>} : memref<1024xi32, #tpu.memory_space<vmem>>, vector<16xi32>,
    tpu.vector_store %arg8[%swap3A_154], %broadcast_in_dim3A_42 {strides = array<i32>} : memref<1024xi32, #tpu.memory_space<vmem>>, vector<16xi32>,
    %swap3A_156 = arith.constant 912 : index
    %swap3A_157 = tpu.vector_load %arg8[%swap3A_156] {strides = array<i32>} : memref<1024xi32, #tpu.memory_space<vmem>>, vector<16xi32>,
    tpu.vector_store %arg8[%swap3A_156], %broadcast_in_dim3A_42 {strides = array<i32>} : memref<1024xi32, #tpu.memory_space<vmem>>, vector<16xi32>,
    %swap3A_158 = arith.constant 928 : index
    %swap3A_159 = tpu.vector_load %arg8[%swap3A_158] {strides = array<i32>} : memref<1024xi32, #tpu.memory_space<vmem>>, vector<16xi32>,
    tpu.vector_store %arg8[%swap3A_158], %broadcast_in_dim3A_42 {strides = array<i32>} : memref<1024xi32, #tpu.memory_space<vmem>>, vector<16xi32>,
    %swap3A_160 = arith.constant 944 : index
    %swap3A_161 = tpu.vector_load %arg8[%swap3A_160] {strides = array<i32>} : memref<1024xi32, #tpu.memory_space<vmem>>, vector<16xi32>,
    tpu.vector_store %arg8[%swap3A_160], %broadcast_in_dim3A_42 {strides = array<i32>} : memref<1024xi32, #tpu.memory_space<vmem>>, vector<16xi32>,
    %swap3A_162 = arith.constant 960 : index
    %swap3A_163 = tpu.vector_load %arg8[%swap3A_162] {strides = array<i32>} : memref<1024xi32, #tpu.memory_space<vmem>>, vector<16xi32>,
    tpu.vector_store %arg8[%swap3A_162], %broadcast_in_dim3A_42 {strides = array<i32>} : memref<1024xi32, #tpu.memory_space<vmem>>, vector<16xi32>,
    %swap3A_164 = arith.constant 976 : index
    %swap3A_165 = tpu.vector_load %arg8[%swap3A_164] {strides = array<i32>} : memref<1024xi32, #tpu.memory_space<vmem>>, vector<16xi32>,
    tpu.vector_store %arg8[%swap3A_164], %broadcast_in_dim3A_42 {strides = array<i32>} : memref<1024xi32, #tpu.memory_space<vmem>>, vector<16xi32>,
    %swap3A_166 = arith.constant 992 : index
    %swap3A_167 = tpu.vector_load %arg8[%swap3A_166] {strides = array<i32>} : memref<1024xi32, #tpu.memory_space<vmem>>, vector<16xi32>,
    tpu.vector_store %arg8[%swap3A_166], %broadcast_in_dim3A_42 {strides = array<i32>} : memref<1024xi32, #tpu.memory_space<vmem>>, vector<16xi32>,
    %swap3A_168 = arith.constant 1008 : index
    %swap3A_169 = tpu.vector_load %arg8[%swap3A_168] {strides = array<i32>} : memref<1024xi32, #tpu.memory_space<vmem>>, vector<16xi32>,
    tpu.vector_store %arg8[%swap3A_168], %broadcast_in_dim3A_42 {strides = array<i32>} : memref<1024xi32, #tpu.memory_space<vmem>>, vector<16xi32>,
    %get3A = arith.constant 0 : i32
    %get3A_170 = arith.index_cast %get3A : i32 to index
    %get3A_171 = arith.constant 0 : index
    %get3A_172 = tpu.vector_load %arg6[%get3A_170, %get3A_171] {strides = array<i32>} : memref<4x128xi32, #tpu.memory_space<vmem>>, vector<16xi32>,
    %broadcast_in_dim3A_173 = arith.constant true
    %broadcast_in_dim3A_174 = vector.broadcast %broadcast_in_dim3A_173 : i1 to vector<16xi1>
    %unique3A, %unique3A_175 = tpu.scan_count mask(%broadcast_in_dim3A_174 : vector<16xi1>) value(%get3A_172 : vector<16xi32>) : vector<16xi1>, vector<16xi32>
    tpu.vector_store_idx %arg8[%get3A_172], %unique3A_175 masked %unique3A {add = true} : memref<1024xi32, #tpu.memory_space<vmem>>[vector<16xi32>], vector<16xi32>, vector<16xi1>
    %get3A_176 = arith.constant 0 : i32
    %get3A_177 = arith.index_cast %get3A_176 : i32 to index
    %get3A_178 = arith.constant 16 : index
    %get3A_179 = tpu.vector_load %arg6[%get3A_177, %get3A_178] {strides = array<i32>} : memref<4x128xi32, #tpu.memory_space<vmem>>, vector<16xi32>,
    %broadcast_in_dim3A_180 = arith.constant true
    %broadcast_in_dim3A_181 = vector.broadcast %broadcast_in_dim3A_180 : i1 to vector<16xi1>
    %unique3A_182, %unique3A_183 = tpu.scan_count mask(%broadcast_in_dim3A_181 : vector<16xi1>) value(%get3A_179 : vector<16xi32>) : vector<16xi1>, vector<16xi32>
    tpu.vector_store_idx %arg8[%get3A_179], %unique3A_183 masked %unique3A_182 {add = true} : memref<1024xi32, #tpu.memory_space<vmem>>[vector<16xi32>], vector<16xi32>, vector<16xi1>
    %get3A_184 = arith.constant 0 : i32
    %get3A_185 = arith.index_cast %get3A_184 : i32 to index
    %get3A_186 = arith.constant 32 : index
    %get3A_187 = tpu.vector_load %arg6[%get3A_185, %get3A_186] {strides = array<i32>} : memref<4x128xi32, #tpu.memory_space<vmem>>, vector<16xi32>,
    %broadcast_in_dim3A_188 = arith.constant true
    %broadcast_in_dim3A_189 = vector.broadcast %broadcast_in_dim3A_188 : i1 to vector<16xi1>
    %unique3A_190, %unique3A_191 = tpu.scan_count mask(%broadcast_in_dim3A_189 : vector<16xi1>) value(%get3A_187 : vector<16xi32>) : vector<16xi1>, vector<16xi32>
    tpu.vector_store_idx %arg8[%get3A_187], %unique3A_191 masked %unique3A_190 {add = true} : memref<1024xi32, #tpu.memory_space<vmem>>[vector<16xi32>], vector<16xi32>, vector<16xi1>
    %get3A_192 = arith.constant 0 : i32
    %get3A_193 = arith.index_cast %get3A_192 : i32 to index
    %get3A_194 = arith.constant 48 : index
    %get3A_195 = tpu.vector_load %arg6[%get3A_193, %get3A_194] {strides = array<i32>} : memref<4x128xi32, #tpu.memory_space<vmem>>, vector<16xi32>,
    %broadcast_in_dim3A_196 = arith.constant true
    %broadcast_in_dim3A_197 = vector.broadcast %broadcast_in_dim3A_196 : i1 to vector<16xi1>
    %unique3A_198, %unique3A_199 = tpu.scan_count mask(%broadcast_in_dim3A_197 : vector<16xi1>) value(%get3A_195 : vector<16xi32>) : vector<16xi1>, vector<16xi32>
    tpu.vector_store_idx %arg8[%get3A_195], %unique3A_199 masked %unique3A_198 {add = true} : memref<1024xi32, #tpu.memory_space<vmem>>[vector<16xi32>], vector<16xi32>, vector<16xi1>
    %get3A_200 = arith.constant 0 : i32
    %get3A_201 = arith.index_cast %get3A_200 : i32 to index
    %get3A_202 = arith.constant 64 : index
    %get3A_203 = tpu.vector_load %arg6[%get3A_201, %get3A_202] {strides = array<i32>} : memref<4x128xi32, #tpu.memory_space<vmem>>, vector<16xi32>,
    %broadcast_in_dim3A_204 = arith.constant true
    %broadcast_in_dim3A_205 = vector.broadcast %broadcast_in_dim3A_204 : i1 to vector<16xi1>
    %unique3A_206, %unique3A_207 = tpu.scan_count mask(%broadcast_in_dim3A_205 : vector<16xi1>) value(%get3A_203 : vector<16xi32>) : vector<16xi1>, vector<16xi32>
    tpu.vector_store_idx %arg8[%get3A_203], %unique3A_207 masked %unique3A_206 {add = true} : memref<1024xi32, #tpu.memory_space<vmem>>[vector<16xi32>], vector<16xi32>, vector<16xi1>
    %get3A_208 = arith.constant 0 : i32
    %get3A_209 = arith.index_cast %get3A_208 : i32 to index
    %get3A_210 = arith.constant 80 : index
    %get3A_211 = tpu.vector_load %arg6[%get3A_209, %get3A_210] {strides = array<i32>} : memref<4x128xi32, #tpu.memory_space<vmem>>, vector<16xi32>,
    %broadcast_in_dim3A_212 = arith.constant true
    %broadcast_in_dim3A_213 = vector.broadcast %broadcast_in_dim3A_212 : i1 to vector<16xi1>
    %unique3A_214, %unique3A_215 = tpu.scan_count mask(%broadcast_in_dim3A_213 : vector<16xi1>) value(%get3A_211 : vector<16xi32>) : vector<16xi1>, vector<16xi32>
    tpu.vector_store_idx %arg8[%get3A_211], %unique3A_215 masked %unique3A_214 {add = true} : memref<1024xi32, #tpu.memory_space<vmem>>[vector<16xi32>], vector<16xi32>, vector<16xi1>
    %get3A_216 = arith.constant 0 : i32
    %get3A_217 = arith.index_cast %get3A_216 : i32 to index
    %get3A_218 = arith.constant 96 : index
    %get3A_219 = tpu.vector_load %arg6[%get3A_217, %get3A_218] {strides = array<i32>} : memref<4x128xi32, #tpu.memory_space<vmem>>, vector<16xi32>,
    %broadcast_in_dim3A_220 = arith.constant true
    %broadcast_in_dim3A_221 = vector.broadcast %broadcast_in_dim3A_220 : i1 to vector<16xi1>
    %unique3A_222, %unique3A_223 = tpu.scan_count mask(%broadcast_in_dim3A_221 : vector<16xi1>) value(%get3A_219 : vector<16xi32>) : vector<16xi1>, vector<16xi32>
    tpu.vector_store_idx %arg8[%get3A_219], %unique3A_223 masked %unique3A_222 {add = true} : memref<1024xi32, #tpu.memory_space<vmem>>[vector<16xi32>], vector<16xi32>, vector<16xi1>
    %get3A_224 = arith.constant 0 : i32
    %get3A_225 = arith.index_cast %get3A_224 : i32 to index
    %get3A_226 = arith.constant 112 : index
    %get3A_227 = tpu.vector_load %arg6[%get3A_225, %get3A_226] {strides = array<i32>} : memref<4x128xi32, #tpu.memory_space<vmem>>, vector<16xi32>,
    %broadcast_in_dim3A_228 = arith.constant true
    %broadcast_in_dim3A_229 = vector.broadcast %broadcast_in_dim3A_228 : i1 to vector<16xi1>
    %unique3A_230, %unique3A_231 = tpu.scan_count mask(%broadcast_in_dim3A_229 : vector<16xi1>) value(%get3A_227 : vector<16xi32>) : vector<16xi1>, vector<16xi32>
    tpu.vector_store_idx %arg8[%get3A_227], %unique3A_231 masked %unique3A_230 {add = true} : memref<1024xi32, #tpu.memory_space<vmem>>[vector<16xi32>], vector<16xi32>, vector<16xi1>
    %get3A_232 = arith.constant 1 : i32
    %get3A_233 = arith.index_cast %get3A_232 : i32 to index
    %get3A_234 = arith.constant 0 : index
    %get3A_235 = tpu.vector_load %arg6[%get3A_233, %get3A_234] {strides = array<i32>} : memref<4x128xi32, #tpu.memory_space<vmem>>, vector<16xi32>,
    %broadcast_in_dim3A_236 = arith.constant true
    %broadcast_in_dim3A_237 = vector.broadcast %broadcast_in_dim3A_236 : i1 to vector<16xi1>
    %unique3A_238, %unique3A_239 = tpu.scan_count mask(%broadcast_in_dim3A_237 : vector<16xi1>) value(%get3A_235 : vector<16xi32>) : vector<16xi1>, vector<16xi32>
    tpu.vector_store_idx %arg8[%get3A_235], %unique3A_239 masked %unique3A_238 {add = true} : memref<1024xi32, #tpu.memory_space<vmem>>[vector<16xi32>], vector<16xi32>, vector<16xi1>
    %get3A_240 = arith.constant 1 : i32
    %get3A_241 = arith.index_cast %get3A_240 : i32 to index
    %get3A_242 = arith.constant 16 : index
    %get3A_243 = tpu.vector_load %arg6[%get3A_241, %get3A_242] {strides = array<i32>} : memref<4x128xi32, #tpu.memory_space<vmem>>, vector<16xi32>,
    %broadcast_in_dim3A_244 = arith.constant true
    %broadcast_in_dim3A_245 = vector.broadcast %broadcast_in_dim3A_244 : i1 to vector<16xi1>
    %unique3A_246, %unique3A_247 = tpu.scan_count mask(%broadcast_in_dim3A_245 : vector<16xi1>) value(%get3A_243 : vector<16xi32>) : vector<16xi1>, vector<16xi32>
    tpu.vector_store_idx %arg8[%get3A_243], %unique3A_247 masked %unique3A_246 {add = true} : memref<1024xi32, #tpu.memory_space<vmem>>[vector<16xi32>], vector<16xi32>, vector<16xi1>
    %get3A_248 = arith.constant 1 : i32
    %get3A_249 = arith.index_cast %get3A_248 : i32 to index
    %get3A_250 = arith.constant 32 : index
    %get3A_251 = tpu.vector_load %arg6[%get3A_249, %get3A_250] {strides = array<i32>} : memref<4x128xi32, #tpu.memory_space<vmem>>, vector<16xi32>,
    %broadcast_in_dim3A_252 = arith.constant true
    %broadcast_in_dim3A_253 = vector.broadcast %broadcast_in_dim3A_252 : i1 to vector<16xi1>
    %unique3A_254, %unique3A_255 = tpu.scan_count mask(%broadcast_in_dim3A_253 : vector<16xi1>) value(%get3A_251 : vector<16xi32>) : vector<16xi1>, vector<16xi32>
    tpu.vector_store_idx %arg8[%get3A_251], %unique3A_255 masked %unique3A_254 {add = true} : memref<1024xi32, #tpu.memory_space<vmem>>[vector<16xi32>], vector<16xi32>, vector<16xi1>
    %get3A_256 = arith.constant 1 : i32
    %get3A_257 = arith.index_cast %get3A_256 : i32 to index
    %get3A_258 = arith.constant 48 : index
    %get3A_259 = tpu.vector_load %arg6[%get3A_257, %get3A_258] {strides = array<i32>} : memref<4x128xi32, #tpu.memory_space<vmem>>, vector<16xi32>,
    %broadcast_in_dim3A_260 = arith.constant true
    %broadcast_in_dim3A_261 = vector.broadcast %broadcast_in_dim3A_260 : i1 to vector<16xi1>
    %unique3A_262, %unique3A_263 = tpu.scan_count mask(%broadcast_in_dim3A_261 : vector<16xi1>) value(%get3A_259 : vector<16xi32>) : vector<16xi1>, vector<16xi32>
    tpu.vector_store_idx %arg8[%get3A_259], %unique3A_263 masked %unique3A_262 {add = true} : memref<1024xi32, #tpu.memory_space<vmem>>[vector<16xi32>], vector<16xi32>, vector<16xi1>
    %get3A_264 = arith.constant 1 : i32
    %get3A_265 = arith.index_cast %get3A_264 : i32 to index
    %get3A_266 = arith.constant 64 : index
    %get3A_267 = tpu.vector_load %arg6[%get3A_265, %get3A_266] {strides = array<i32>} : memref<4x128xi32, #tpu.memory_space<vmem>>, vector<16xi32>,
    %broadcast_in_dim3A_268 = arith.constant true
    %broadcast_in_dim3A_269 = vector.broadcast %broadcast_in_dim3A_268 : i1 to vector<16xi1>
    %unique3A_270, %unique3A_271 = tpu.scan_count mask(%broadcast_in_dim3A_269 : vector<16xi1>) value(%get3A_267 : vector<16xi32>) : vector<16xi1>, vector<16xi32>
    tpu.vector_store_idx %arg8[%get3A_267], %unique3A_271 masked %unique3A_270 {add = true} : memref<1024xi32, #tpu.memory_space<vmem>>[vector<16xi32>], vector<16xi32>, vector<16xi1>
    %get3A_272 = arith.constant 1 : i32
    %get3A_273 = arith.index_cast %get3A_272 : i32 to index
    %get3A_274 = arith.constant 80 : index
    %get3A_275 = tpu.vector_load %arg6[%get3A_273, %get3A_274] {strides = array<i32>} : memref<4x128xi32, #tpu.memory_space<vmem>>, vector<16xi32>,
    %broadcast_in_dim3A_276 = arith.constant true
    %broadcast_in_dim3A_277 = vector.broadcast %broadcast_in_dim3A_276 : i1 to vector<16xi1>
    %unique3A_278, %unique3A_279 = tpu.scan_count mask(%broadcast_in_dim3A_277 : vector<16xi1>) value(%get3A_275 : vector<16xi32>) : vector<16xi1>, vector<16xi32>
    tpu.vector_store_idx %arg8[%get3A_275], %unique3A_279 masked %unique3A_278 {add = true} : memref<1024xi32, #tpu.memory_space<vmem>>[vector<16xi32>], vector<16xi32>, vector<16xi1>
    %get3A_280 = arith.constant 1 : i32
    %get3A_281 = arith.index_cast %get3A_280 : i32 to index
    %get3A_282 = arith.constant 96 : index
    %get3A_283 = tpu.vector_load %arg6[%get3A_281, %get3A_282] {strides = array<i32>} : memref<4x128xi32, #tpu.memory_space<vmem>>, vector<16xi32>,
    %broadcast_in_dim3A_284 = arith.constant true
    %broadcast_in_dim3A_285 = vector.broadcast %broadcast_in_dim3A_284 : i1 to vector<16xi1>
    %unique3A_286, %unique3A_287 = tpu.scan_count mask(%broadcast_in_dim3A_285 : vector<16xi1>) value(%get3A_283 : vector<16xi32>) : vector<16xi1>, vector<16xi32>
    tpu.vector_store_idx %arg8[%get3A_283], %unique3A_287 masked %unique3A_286 {add = true} : memref<1024xi32, #tpu.memory_space<vmem>>[vector<16xi32>], vector<16xi32>, vector<16xi1>
    %get3A_288 = arith.constant 1 : i32
    %get3A_289 = arith.index_cast %get3A_288 : i32 to index
    %get3A_290 = arith.constant 112 : index
    %get3A_291 = tpu.vector_load %arg6[%get3A_289, %get3A_290] {strides = array<i32>} : memref<4x128xi32, #tpu.memory_space<vmem>>, vector<16xi32>,
    %broadcast_in_dim3A_292 = arith.constant true
    %broadcast_in_dim3A_293 = vector.broadcast %broadcast_in_dim3A_292 : i1 to vector<16xi1>
    %unique3A_294, %unique3A_295 = tpu.scan_count mask(%broadcast_in_dim3A_293 : vector<16xi1>) value(%get3A_291 : vector<16xi32>) : vector<16xi1>, vector<16xi32>
    tpu.vector_store_idx %arg8[%get3A_291], %unique3A_295 masked %unique3A_294 {add = true} : memref<1024xi32, #tpu.memory_space<vmem>>[vector<16xi32>], vector<16xi32>, vector<16xi1>
    %get3A_296 = arith.constant 2 : i32
    %get3A_297 = arith.index_cast %get3A_296 : i32 to index
    %get3A_298 = arith.constant 0 : index
    %get3A_299 = tpu.vector_load %arg6[%get3A_297, %get3A_298] {strides = array<i32>} : memref<4x128xi32, #tpu.memory_space<vmem>>, vector<16xi32>,
    %broadcast_in_dim3A_300 = arith.constant true
    %broadcast_in_dim3A_301 = vector.broadcast %broadcast_in_dim3A_300 : i1 to vector<16xi1>
    %unique3A_302, %unique3A_303 = tpu.scan_count mask(%broadcast_in_dim3A_301 : vector<16xi1>) value(%get3A_299 : vector<16xi32>) : vector<16xi1>, vector<16xi32>
    tpu.vector_store_idx %arg8[%get3A_299], %unique3A_303 masked %unique3A_302 {add = true} : memref<1024xi32, #tpu.memory_space<vmem>>[vector<16xi32>], vector<16xi32>, vector<16xi1>
    %get3A_304 = arith.constant 2 : i32
    %get3A_305 = arith.index_cast %get3A_304 : i32 to index
    %get3A_306 = arith.constant 16 : index
    %get3A_307 = tpu.vector_load %arg6[%get3A_305, %get3A_306] {strides = array<i32>} : memref<4x128xi32, #tpu.memory_space<vmem>>, vector<16xi32>,
    %broadcast_in_dim3A_308 = arith.constant true
    %broadcast_in_dim3A_309 = vector.broadcast %broadcast_in_dim3A_308 : i1 to vector<16xi1>
    %unique3A_310, %unique3A_311 = tpu.scan_count mask(%broadcast_in_dim3A_309 : vector<16xi1>) value(%get3A_307 : vector<16xi32>) : vector<16xi1>, vector<16xi32>
    tpu.vector_store_idx %arg8[%get3A_307], %unique3A_311 masked %unique3A_310 {add = true} : memref<1024xi32, #tpu.memory_space<vmem>>[vector<16xi32>], vector<16xi32>, vector<16xi1>
    %get3A_312 = arith.constant 2 : i32
    %get3A_313 = arith.index_cast %get3A_312 : i32 to index
    %get3A_314 = arith.constant 32 : index
    %get3A_315 = tpu.vector_load %arg6[%get3A_313, %get3A_314] {strides = array<i32>} : memref<4x128xi32, #tpu.memory_space<vmem>>, vector<16xi32>,
    %broadcast_in_dim3A_316 = arith.constant true
    %broadcast_in_dim3A_317 = vector.broadcast %broadcast_in_dim3A_316 : i1 to vector<16xi1>
    %unique3A_318, %unique3A_319 = tpu.scan_count mask(%broadcast_in_dim3A_317 : vector<16xi1>) value(%get3A_315 : vector<16xi32>) : vector<16xi1>, vector<16xi32>
    tpu.vector_store_idx %arg8[%get3A_315], %unique3A_319 masked %unique3A_318 {add = true} : memref<1024xi32, #tpu.memory_space<vmem>>[vector<16xi32>], vector<16xi32>, vector<16xi1>
    %get3A_320 = arith.constant 2 : i32
    %get3A_321 = arith.index_cast %get3A_320 : i32 to index
    %get3A_322 = arith.constant 48 : index
    %get3A_323 = tpu.vector_load %arg6[%get3A_321, %get3A_322] {strides = array<i32>} : memref<4x128xi32, #tpu.memory_space<vmem>>, vector<16xi32>,
    %broadcast_in_dim3A_324 = arith.constant true
    %broadcast_in_dim3A_325 = vector.broadcast %broadcast_in_dim3A_324 : i1 to vector<16xi1>
    %unique3A_326, %unique3A_327 = tpu.scan_count mask(%broadcast_in_dim3A_325 : vector<16xi1>) value(%get3A_323 : vector<16xi32>) : vector<16xi1>, vector<16xi32>
    tpu.vector_store_idx %arg8[%get3A_323], %unique3A_327 masked %unique3A_326 {add = true} : memref<1024xi32, #tpu.memory_space<vmem>>[vector<16xi32>], vector<16xi32>, vector<16xi1>
    %get3A_328 = arith.constant 2 : i32
    %get3A_329 = arith.index_cast %get3A_328 : i32 to index
    %get3A_330 = arith.constant 64 : index
    %get3A_331 = tpu.vector_load %arg6[%get3A_329, %get3A_330] {strides = array<i32>} : memref<4x128xi32, #tpu.memory_space<vmem>>, vector<16xi32>,
    %broadcast_in_dim3A_332 = arith.constant true
    %broadcast_in_dim3A_333 = vector.broadcast %broadcast_in_dim3A_332 : i1 to vector<16xi1>
    %unique3A_334, %unique3A_335 = tpu.scan_count mask(%broadcast_in_dim3A_333 : vector<16xi1>) value(%get3A_331 : vector<16xi32>) : vector<16xi1>, vector<16xi32>
    tpu.vector_store_idx %arg8[%get3A_331], %unique3A_335 masked %unique3A_334 {add = true} : memref<1024xi32, #tpu.memory_space<vmem>>[vector<16xi32>], vector<16xi32>, vector<16xi1>
    %get3A_336 = arith.constant 2 : i32
    %get3A_337 = arith.index_cast %get3A_336 : i32 to index
    %get3A_338 = arith.constant 80 : index
    %get3A_339 = tpu.vector_load %arg6[%get3A_337, %get3A_338] {strides = array<i32>} : memref<4x128xi32, #tpu.memory_space<vmem>>, vector<16xi32>,
    %broadcast_in_dim3A_340 = arith.constant true
    %broadcast_in_dim3A_341 = vector.broadcast %broadcast_in_dim3A_340 : i1 to vector<16xi1>
    %unique3A_342, %unique3A_343 = tpu.scan_count mask(%broadcast_in_dim3A_341 : vector<16xi1>) value(%get3A_339 : vector<16xi32>) : vector<16xi1>, vector<16xi32>
    tpu.vector_store_idx %arg8[%get3A_339], %unique3A_343 masked %unique3A_342 {add = true} : memref<1024xi32, #tpu.memory_space<vmem>>[vector<16xi32>], vector<16xi32>, vector<16xi1>
    %get3A_344 = arith.constant 2 : i32
    %get3A_345 = arith.index_cast %get3A_344 : i32 to index
    %get3A_346 = arith.constant 96 : index
    %get3A_347 = tpu.vector_load %arg6[%get3A_345, %get3A_346] {strides = array<i32>} : memref<4x128xi32, #tpu.memory_space<vmem>>, vector<16xi32>,
    %broadcast_in_dim3A_348 = arith.constant true
    %broadcast_in_dim3A_349 = vector.broadcast %broadcast_in_dim3A_348 : i1 to vector<16xi1>
    %unique3A_350, %unique3A_351 = tpu.scan_count mask(%broadcast_in_dim3A_349 : vector<16xi1>) value(%get3A_347 : vector<16xi32>) : vector<16xi1>, vector<16xi32>
    tpu.vector_store_idx %arg8[%get3A_347], %unique3A_351 masked %unique3A_350 {add = true} : memref<1024xi32, #tpu.memory_space<vmem>>[vector<16xi32>], vector<16xi32>, vector<16xi1>
    %get3A_352 = arith.constant 2 : i32
    %get3A_353 = arith.index_cast %get3A_352 : i32 to index
    %get3A_354 = arith.constant 112 : index
    %get3A_355 = tpu.vector_load %arg6[%get3A_353, %get3A_354] {strides = array<i32>} : memref<4x128xi32, #tpu.memory_space<vmem>>, vector<16xi32>,
    %broadcast_in_dim3A_356 = arith.constant true
    %broadcast_in_dim3A_357 = vector.broadcast %broadcast_in_dim3A_356 : i1 to vector<16xi1>
    %unique3A_358, %unique3A_359 = tpu.scan_count mask(%broadcast_in_dim3A_357 : vector<16xi1>) value(%get3A_355 : vector<16xi32>) : vector<16xi1>, vector<16xi32>
    tpu.vector_store_idx %arg8[%get3A_355], %unique3A_359 masked %unique3A_358 {add = true} : memref<1024xi32, #tpu.memory_space<vmem>>[vector<16xi32>], vector<16xi32>, vector<16xi1>
    %get3A_360 = arith.constant 3 : i32
    %get3A_361 = arith.index_cast %get3A_360 : i32 to index
    %get3A_362 = arith.constant 0 : index
    %get3A_363 = tpu.vector_load %arg6[%get3A_361, %get3A_362] {strides = array<i32>} : memref<4x128xi32, #tpu.memory_space<vmem>>, vector<16xi32>,
    %broadcast_in_dim3A_364 = arith.constant true
    %broadcast_in_dim3A_365 = vector.broadcast %broadcast_in_dim3A_364 : i1 to vector<16xi1>
    %unique3A_366, %unique3A_367 = tpu.scan_count mask(%broadcast_in_dim3A_365 : vector<16xi1>) value(%get3A_363 : vector<16xi32>) : vector<16xi1>, vector<16xi32>
    tpu.vector_store_idx %arg8[%get3A_363], %unique3A_367 masked %unique3A_366 {add = true} : memref<1024xi32, #tpu.memory_space<vmem>>[vector<16xi32>], vector<16xi32>, vector<16xi1>
    %get3A_368 = arith.constant 3 : i32
    %get3A_369 = arith.index_cast %get3A_368 : i32 to index
    %get3A_370 = arith.constant 16 : index
    %get3A_371 = tpu.vector_load %arg6[%get3A_369, %get3A_370] {strides = array<i32>} : memref<4x128xi32, #tpu.memory_space<vmem>>, vector<16xi32>,
    %broadcast_in_dim3A_372 = arith.constant true
    %broadcast_in_dim3A_373 = vector.broadcast %broadcast_in_dim3A_372 : i1 to vector<16xi1>
    %unique3A_374, %unique3A_375 = tpu.scan_count mask(%broadcast_in_dim3A_373 : vector<16xi1>) value(%get3A_371 : vector<16xi32>) : vector<16xi1>, vector<16xi32>
    tpu.vector_store_idx %arg8[%get3A_371], %unique3A_375 masked %unique3A_374 {add = true} : memref<1024xi32, #tpu.memory_space<vmem>>[vector<16xi32>], vector<16xi32>, vector<16xi1>
    %get3A_376 = arith.constant 3 : i32
    %get3A_377 = arith.index_cast %get3A_376 : i32 to index
    %get3A_378 = arith.constant 32 : index
    %get3A_379 = tpu.vector_load %arg6[%get3A_377, %get3A_378] {strides = array<i32>} : memref<4x128xi32, #tpu.memory_space<vmem>>, vector<16xi32>,
    %broadcast_in_dim3A_380 = arith.constant true
    %broadcast_in_dim3A_381 = vector.broadcast %broadcast_in_dim3A_380 : i1 to vector<16xi1>
    %unique3A_382, %unique3A_383 = tpu.scan_count mask(%broadcast_in_dim3A_381 : vector<16xi1>) value(%get3A_379 : vector<16xi32>) : vector<16xi1>, vector<16xi32>
    tpu.vector_store_idx %arg8[%get3A_379], %unique3A_383 masked %unique3A_382 {add = true} : memref<1024xi32, #tpu.memory_space<vmem>>[vector<16xi32>], vector<16xi32>, vector<16xi1>
    %get3A_384 = arith.constant 3 : i32
    %get3A_385 = arith.index_cast %get3A_384 : i32 to index
    %get3A_386 = arith.constant 48 : index
    %get3A_387 = tpu.vector_load %arg6[%get3A_385, %get3A_386] {strides = array<i32>} : memref<4x128xi32, #tpu.memory_space<vmem>>, vector<16xi32>,
    %broadcast_in_dim3A_388 = arith.constant true
    %broadcast_in_dim3A_389 = vector.broadcast %broadcast_in_dim3A_388 : i1 to vector<16xi1>
    %unique3A_390, %unique3A_391 = tpu.scan_count mask(%broadcast_in_dim3A_389 : vector<16xi1>) value(%get3A_387 : vector<16xi32>) : vector<16xi1>, vector<16xi32>
    tpu.vector_store_idx %arg8[%get3A_387], %unique3A_391 masked %unique3A_390 {add = true} : memref<1024xi32, #tpu.memory_space<vmem>>[vector<16xi32>], vector<16xi32>, vector<16xi1>
    %get3A_392 = arith.constant 3 : i32
    %get3A_393 = arith.index_cast %get3A_392 : i32 to index
    %get3A_394 = arith.constant 64 : index
    %get3A_395 = tpu.vector_load %arg6[%get3A_393, %get3A_394] {strides = array<i32>} : memref<4x128xi32, #tpu.memory_space<vmem>>, vector<16xi32>,
    %broadcast_in_dim3A_396 = arith.constant true
    %broadcast_in_dim3A_397 = vector.broadcast %broadcast_in_dim3A_396 : i1 to vector<16xi1>
    %unique3A_398, %unique3A_399 = tpu.scan_count mask(%broadcast_in_dim3A_397 : vector<16xi1>) value(%get3A_395 : vector<16xi32>) : vector<16xi1>, vector<16xi32>
    tpu.vector_store_idx %arg8[%get3A_395], %unique3A_399 masked %unique3A_398 {add = true} : memref<1024xi32, #tpu.memory_space<vmem>>[vector<16xi32>], vector<16xi32>, vector<16xi1>
    %get3A_400 = arith.constant 3 : i32
    %get3A_401 = arith.index_cast %get3A_400 : i32 to index
    %get3A_402 = arith.constant 80 : index
    %get3A_403 = tpu.vector_load %arg6[%get3A_401, %get3A_402] {strides = array<i32>} : memref<4x128xi32, #tpu.memory_space<vmem>>, vector<16xi32>,
    %broadcast_in_dim3A_404 = arith.constant true
    %broadcast_in_dim3A_405 = vector.broadcast %broadcast_in_dim3A_404 : i1 to vector<16xi1>
    %unique3A_406, %unique3A_407 = tpu.scan_count mask(%broadcast_in_dim3A_405 : vector<16xi1>) value(%get3A_403 : vector<16xi32>) : vector<16xi1>, vector<16xi32>
    tpu.vector_store_idx %arg8[%get3A_403], %unique3A_407 masked %unique3A_406 {add = true} : memref<1024xi32, #tpu.memory_space<vmem>>[vector<16xi32>], vector<16xi32>, vector<16xi1>
    %get3A_408 = arith.constant 3 : i32
    %get3A_409 = arith.index_cast %get3A_408 : i32 to index
    %get3A_410 = arith.constant 96 : index
    %get3A_411 = tpu.vector_load %arg6[%get3A_409, %get3A_410] {strides = array<i32>} : memref<4x128xi32, #tpu.memory_space<vmem>>, vector<16xi32>,
    %broadcast_in_dim3A_412 = arith.constant true
    %broadcast_in_dim3A_413 = vector.broadcast %broadcast_in_dim3A_412 : i1 to vector<16xi1>
    %unique3A_414, %unique3A_415 = tpu.scan_count mask(%broadcast_in_dim3A_413 : vector<16xi1>) value(%get3A_411 : vector<16xi32>) : vector<16xi1>, vector<16xi32>
    tpu.vector_store_idx %arg8[%get3A_411], %unique3A_415 masked %unique3A_414 {add = true} : memref<1024xi32, #tpu.memory_space<vmem>>[vector<16xi32>], vector<16xi32>, vector<16xi1>
    %get3A_416 = arith.constant 3 : i32
    %get3A_417 = arith.index_cast %get3A_416 : i32 to index
    %get3A_418 = arith.constant 112 : index
    %get3A_419 = tpu.vector_load %arg6[%get3A_417, %get3A_418] {strides = array<i32>} : memref<4x128xi32, #tpu.memory_space<vmem>>, vector<16xi32>,
    %broadcast_in_dim3A_420 = arith.constant true
    %broadcast_in_dim3A_421 = vector.broadcast %broadcast_in_dim3A_420 : i1 to vector<16xi1>
    %unique3A_422, %unique3A_423 = tpu.scan_count mask(%broadcast_in_dim3A_421 : vector<16xi1>) value(%get3A_419 : vector<16xi32>) : vector<16xi1>, vector<16xi32>
    tpu.vector_store_idx %arg8[%get3A_419], %unique3A_423 masked %unique3A_422 {add = true} : memref<1024xi32, #tpu.memory_space<vmem>>[vector<16xi32>], vector<16xi32>, vector<16xi1>
    %dma_wait3A = arith.constant 0 : i32
    %dma_wait3A_424 = arith.constant 0 : i32
    %dma_wait3A_425 = arith.constant 0 : i32
    %dma_wait3A_426 = tpu.memref_slice %arg7[%dma_wait3A_424, %dma_wait3A_425] : memref<512x64xf32, #tpu.memory_space<vmem>> -> memref<128x64xf32, #tpu.memory_space<vmem>>
    %dma_wait3A_427 = arith.constant 0 : i32
    %dma_wait3A_428 = tpu.memref_slice %arg6[%dma_wait3A, %dma_wait3A_427] : memref<4x128xi32, #tpu.memory_space<vmem>> -> memref<1x128xi32, #tpu.memory_space<vmem>>
    %dma_wait3A_429 = tpu.memref_squeeze %dma_wait3A_428 : memref<1x128xi32, #tpu.memory_space<vmem>> -> memref<128xi32, #tpu.memory_space<vmem>>
    %dma_wait3A_430 = arith.constant 0 : i32
    %dma_wait3A_431 = arith.constant 0 : i32
    %dma_wait3A_432 = tpu.memref_slice %arg3[%dma_wait3A_430, %dma_wait3A_431] : memref<1024x64xf32, #tpu.memory_space<hbm>> -> memref<1024x64xf32, #tpu.memory_space<hbm>>
    tpu.wait_indirect_dma semaphore(%arg9 : memref<!tpu.dma_semaphore, #tpu.memory_space<semaphore_mem>>) src(%dma_wait3A_432 : memref<1024x64xf32, #tpu.memory_space<hbm>>) dst(%dma_wait3A_426 : memref<128x64xf32, #tpu.memory_space<vmem>>)
    %dma_wait3A_433 = arith.constant 1 : i32
    %dma_wait3A_434 = arith.constant 128 : i32
    %dma_wait3A_435 = arith.constant 0 : i32
    %dma_wait3A_436 = tpu.memref_slice %arg7[%dma_wait3A_434, %dma_wait3A_435] : memref<512x64xf32, #tpu.memory_space<vmem>> -> memref<128x64xf32, #tpu.memory_space<vmem>>
    %dma_wait3A_437 = arith.constant 0 : i32
    %dma_wait3A_438 = tpu.memref_slice %arg6[%dma_wait3A_433, %dma_wait3A_437] : memref<4x128xi32, #tpu.memory_space<vmem>> -> memref<1x128xi32, #tpu.memory_space<vmem>>
    %dma_wait3A_439 = tpu.memref_squeeze %dma_wait3A_438 : memref<1x128xi32, #tpu.memory_space<vmem>> -> memref<128xi32, #tpu.memory_space<vmem>>
    %dma_wait3A_440 = arith.constant 0 : i32
    %dma_wait3A_441 = arith.constant 0 : i32
    %dma_wait3A_442 = tpu.memref_slice %arg3[%dma_wait3A_440, %dma_wait3A_441] : memref<1024x64xf32, #tpu.memory_space<hbm>> -> memref<1024x64xf32, #tpu.memory_space<hbm>>
    tpu.wait_indirect_dma semaphore(%arg9 : memref<!tpu.dma_semaphore, #tpu.memory_space<semaphore_mem>>) src(%dma_wait3A_442 : memref<1024x64xf32, #tpu.memory_space<hbm>>) dst(%dma_wait3A_436 : memref<128x64xf32, #tpu.memory_space<vmem>>)
    %dma_wait3A_443 = arith.constant 2 : i32
    %dma_wait3A_444 = arith.constant 256 : i32
    %dma_wait3A_445 = arith.constant 0 : i32
    %dma_wait3A_446 = tpu.memref_slice %arg7[%dma_wait3A_444, %dma_wait3A_445] : memref<512x64xf32, #tpu.memory_space<vmem>> -> memref<128x64xf32, #tpu.memory_space<vmem>>
    %dma_wait3A_447 = arith.constant 0 : i32
    %dma_wait3A_448 = tpu.memref_slice %arg6[%dma_wait3A_443, %dma_wait3A_447] : memref<4x128xi32, #tpu.memory_space<vmem>> -> memref<1x128xi32, #tpu.memory_space<vmem>>
    %dma_wait3A_449 = tpu.memref_squeeze %dma_wait3A_448 : memref<1x128xi32, #tpu.memory_space<vmem>> -> memref<128xi32, #tpu.memory_space<vmem>>
    %dma_wait3A_450 = arith.constant 0 : i32
    %dma_wait3A_451 = arith.constant 0 : i32
    %dma_wait3A_452 = tpu.memref_slice %arg3[%dma_wait3A_450, %dma_wait3A_451] : memref<1024x64xf32, #tpu.memory_space<hbm>> -> memref<1024x64xf32, #tpu.memory_space<hbm>>
    tpu.wait_indirect_dma semaphore(%arg9 : memref<!tpu.dma_semaphore, #tpu.memory_space<semaphore_mem>>) src(%dma_wait3A_452 : memref<1024x64xf32, #tpu.memory_space<hbm>>) dst(%dma_wait3A_446 : memref<128x64xf32, #tpu.memory_space<vmem>>)
    %dma_wait3A_453 = arith.constant 3 : i32
    %dma_wait3A_454 = arith.constant 384 : i32
    %dma_wait3A_455 = arith.constant 0 : i32
    %dma_wait3A_456 = tpu.memref_slice %arg7[%dma_wait3A_454, %dma_wait3A_455] : memref<512x64xf32, #tpu.memory_space<vmem>> -> memref<128x64xf32, #tpu.memory_space<vmem>>
    %dma_wait3A_457 = arith.constant 0 : i32
    %dma_wait3A_458 = tpu.memref_slice %arg6[%dma_wait3A_453, %dma_wait3A_457] : memref<4x128xi32, #tpu.memory_space<vmem>> -> memref<1x128xi32, #tpu.memory_space<vmem>>
    %dma_wait3A_459 = tpu.memref_squeeze %dma_wait3A_458 : memref<1x128xi32, #tpu.memory_space<vmem>> -> memref<128xi32, #tpu.memory_space<vmem>>
    %dma_wait3A_460 = arith.constant 0 : i32
    %dma_wait3A_461 = arith.constant 0 : i32
    %dma_wait3A_462 = tpu.memref_slice %arg3[%dma_wait3A_460, %dma_wait3A_461] : memref<1024x64xf32, #tpu.memory_space<hbm>> -> memref<1024x64xf32, #tpu.memory_space<hbm>>
    tpu.wait_indirect_dma semaphore(%arg9 : memref<!tpu.dma_semaphore, #tpu.memory_space<semaphore_mem>>) src(%dma_wait3A_462 : memref<1024x64xf32, #tpu.memory_space<hbm>>) dst(%dma_wait3A_456 : memref<128x64xf32, #tpu.memory_space<vmem>>)
    %mul3A_463 = arith.constant 512 : i32
    %mul3A_464 = arith.muli %add3A, %mul3A_463 : i32
    "tpu.region"() ({
      %run_scoped3A = tpu.sem_alloc : memref<!tpu.dma_semaphore, #tpu.memory_space<semaphore_mem>>
      %dma_start3A_465 = arith.constant 0 : i32
      %dma_start3A_466 = tpu.memref_slice %arg4[%mul3A_464, %dma_start3A_465] : memref<16384x64xf32, #tpu.memory_space<hbm>> -> memref<512x64xf32, #tpu.memory_space<hbm>>
      %dma_start3A_467 = arith.constant 0 : i32
      %dma_start3A_468 = tpu.memref_slice %arg4[%mul3A_464, %dma_start3A_467] : memref<16384x64xf32, #tpu.memory_space<hbm>> -> memref<512x64xf32, #tpu.memory_space<hbm>>
      tpu.enqueue_dma source(%arg7 : memref<512x64xf32, #tpu.memory_space<vmem>>) target(%dma_start3A_468 : memref<512x64xf32, #tpu.memory_space<hbm>>) target_semaphore(%run_scoped3A : memref<!tpu.dma_semaphore, #tpu.memory_space<semaphore_mem>>)
      %dma_wait3A_469 = arith.constant 0 : i32
      %dma_wait3A_470 = tpu.memref_slice %arg4[%mul3A_464, %dma_wait3A_469] : memref<16384x64xf32, #tpu.memory_space<hbm>> -> memref<512x64xf32, #tpu.memory_space<hbm>>
      %dma_wait3A_471 = arith.constant 0 : i32
      %dma_wait3A_472 = tpu.memref_slice %arg4[%mul3A_464, %dma_wait3A_471] : memref<16384x64xf32, #tpu.memory_space<hbm>> -> memref<512x64xf32, #tpu.memory_space<hbm>>
      tpu.wait_dma2 semaphore(%run_scoped3A : memref<!tpu.dma_semaphore, #tpu.memory_space<semaphore_mem>>) src(%arg7 : memref<512x64xf32, #tpu.memory_space<vmem>>) dst(%dma_wait3A_472 : memref<512x64xf32, #tpu.memory_space<hbm>>)
      tpu.yield
    }) : () -> ()
    "tpu.region"() ({
      %run_scoped3A = tpu.sem_alloc : memref<!tpu.dma_semaphore, #tpu.memory_space<semaphore_mem>>
      %dma_start3A_465 = arith.constant 0 : i32
      %dma_start3A_466 = tpu.memref_slice %arg5[%add3A, %dma_start3A_465] : memref<32x1024xi32, #tpu.memory_space<hbm>> -> memref<1x1024xi32, #tpu.memory_space<hbm>>
      %dma_start3A_467 = tpu.memref_squeeze %dma_start3A_466 : memref<1x1024xi32, #tpu.memory_space<hbm>> -> memref<1024xi32, #tpu.memory_space<hbm>>
      %dma_start3A_468 = arith.constant 0 : i32
      %dma_start3A_469 = tpu.memref_slice %arg5[%add3A, %dma_start3A_468] : memref<32x1024xi32, #tpu.memory_space<hbm>> -> memref<1x1024xi32, #tpu.memory_space<hbm>>
      %dma_start3A_470 = tpu.memref_squeeze %dma_start3A_469 : memref<1x1024xi32, #tpu.memory_space<hbm>> -> memref<1024xi32, #tpu.memory_space<hbm>>
      tpu.enqueue_dma source(%arg8 : memref<1024xi32, #tpu.memory_space<vmem>>) target(%dma_start3A_470 : memref<1024xi32, #tpu.memory_space<hbm>>) target_semaphore(%run_scoped3A : memref<!tpu.dma_semaphore, #tpu.memory_space<semaphore_mem>>)
      %dma_wait3A_471 = arith.constant 0 : i32
      %dma_wait3A_472 = tpu.memref_slice %arg5[%add3A, %dma_wait3A_471] : memref<32x1024xi32, #tpu.memory_space<hbm>> -> memref<1x1024xi32, #tpu.memory_space<hbm>>
      %dma_wait3A_473 = tpu.memref_squeeze %dma_wait3A_472 : memref<1x1024xi32, #tpu.memory_space<hbm>> -> memref<1024xi32, #tpu.memory_space<hbm>>
      %dma_wait3A_474 = arith.constant 0 : i32
      %dma_wait3A_475 = tpu.memref_slice %arg5[%add3A, %dma_wait3A_474] : memref<32x1024xi32, #tpu.memory_space<hbm>> -> memref<1x1024xi32, #tpu.memory_space<hbm>>
      %dma_wait3A_476 = tpu.memref_squeeze %dma_wait3A_475 : memref<1x1024xi32, #tpu.memory_space<hbm>> -> memref<1024xi32, #tpu.memory_space<hbm>>
      tpu.wait_dma2 semaphore(%run_scoped3A : memref<!tpu.dma_semaphore, #tpu.memory_space<semaphore_mem>>) src(%arg8 : memref<1024xi32, #tpu.memory_space<vmem>>) dst(%dma_wait3A_476 : memref<1024xi32, #tpu.memory_space<hbm>>)
      tpu.yield
    }) : () -> ()
    return
  }
}

module attributes {stable_mosaic.version = 14 : i64} {
  func.func @_tc_body(%arg0: i32, %arg1: memref<4096x64xf32, #tpu.memory_space<vmem>>, %arg2: memref<64x1024xf32, #tpu.memory_space<vmem>>, %arg3: memref<4096x1xi16, #tpu.memory_space<vmem>>, %arg4: memref<1x1xf32, #tpu.memory_space<vmem>>, %arg5: memref<1x1xf32, #tpu.memory_space<smem>>) attributes {dimension_semantics = [#tpu.dimension_semantics<arbitrary>], iteration_bounds = array<i64: 4>, scalar_prefetch = 0 : i64, scratch_operands = 1 : i64, tpu.core_type = #tpu.core_type<tc>, window_params = [{transform_indices = @transform_0, window_bounds = array<i64: 4096, 64>}, {pipeline_mode = #tpu.pipeline_mode<synchronous>, transform_indices = @transform_1, window_bounds = array<i64: 64, 1024>}, {transform_indices = @transform_2, window_bounds = array<i64: 4096, 1>}, {pipeline_mode = #tpu.pipeline_mode<synchronous>, transform_indices = @transform_3, window_bounds = array<i64: 1, 1>}]} {
    %get3A = arith.constant 0 : index
    %get3A_0 = arith.constant 0 : index
    %get3A_1 = vector.load %arg1[%get3A, %get3A_0] : memref<4096x64xf32, #tpu.memory_space<vmem>>, vector<4096x64xf32>
    %get3A_2 = arith.constant 0 : index
    %get3A_3 = arith.constant 0 : index
    %get3A_4 = vector.load %arg2[%get3A_2, %get3A_3] : memref<64x1024xf32, #tpu.memory_space<vmem>>, vector<64x1024xf32>
    %mul3A = arith.mulf %get3A_1, %get3A_1 : vector<4096x64xf32>
    %reduce_sum3A = arith.constant dense<0.000000e+00> : vector<4096xf32>
    %reduce_sum3A_5 = vector.multi_reduction <add>, %mul3A, %reduce_sum3A [1] : vector<4096x64xf32> to vector<4096xf32>
    %broadcast_in_dim3A = vector.shape_cast %reduce_sum3A_5 : vector<4096xf32> to vector<4096x1xf32>
    %mul3A_6 = arith.mulf %get3A_4, %get3A_4 : vector<64x1024xf32>
    %reduce_sum3A_7 = arith.constant dense<0.000000e+00> : vector<1024xf32>
    %reduce_sum3A_8 = vector.multi_reduction <add>, %mul3A_6, %reduce_sum3A_7 [0] : vector<64x1024xf32> to vector<1024xf32>
    %broadcast_in_dim3A_9 = vector.shape_cast %reduce_sum3A_8 : vector<1024xf32> to vector<1x1024xf32>
    %mul3A_10 = arith.constant -2.000000e+00 : f32
    %mul3A_11 = vector.broadcast %mul3A_10 : f32 to vector<4096x64xf32>
    %mul3A_12 = arith.mulf %get3A_1, %mul3A_11 : vector<4096x64xf32>
    %dot_general3A = arith.constant dense<0.000000e+00> : vector<4096x1024xf32>
    %dot_general3A_13 = tpu.matmul %mul3A_12, %get3A_4, %dot_general3A {dimension_numbers = #tpu.dot_dimension_numbers<[1], [0], [0], [1], [0, 0, 1, 1], [], []>, transpose_lhs_hint = false} : vector<4096x64xf32>, vector<64x1024xf32>, vector<4096x1024xf32> -> vector<4096x1024xf32>
    %add3A = vector.broadcast %broadcast_in_dim3A : vector<4096x1xf32> to vector<4096x1024xf32>
    %add3A_14 = vector.broadcast %broadcast_in_dim3A_9 : vector<1x1024xf32> to vector<4096x1024xf32>
    %add3A_15 = arith.addf %add3A, %add3A_14 : vector<4096x1024xf32>
    %add3A_16 = arith.addf %add3A_15, %dot_general3A_13 : vector<4096x1024xf32>
    %reduce_min3A = arith.constant dense<0x7F800000> : vector<4096xf32>
    %reduce_min3A_17 = vector.multi_reduction <minimumf>, %add3A_16, %reduce_min3A [1] : vector<4096x1024xf32> to vector<4096xf32>
    %broadcast_in_dim3A_18 = vector.shape_cast %reduce_min3A_17 : vector<4096xf32> to vector<4096x1xf32>
    %iota3A = tpu.iota {dimensions = array<i32: 1>} : vector<4096x1024xi32>
    %eq3A = vector.broadcast %broadcast_in_dim3A_18 : vector<4096x1xf32> to vector<4096x1024xf32>
    %eq3A_19 = arith.cmpf oeq, %add3A_16, %eq3A : vector<4096x1024xf32>
    %jit3A = arith.constant 1024 : i32
    %broadcast_in_dim3A_20 = vector.broadcast %jit3A : i32 to vector<4096x1024xi32>
    %select_n3A = arith.select %eq3A_19, %iota3A, %broadcast_in_dim3A_20 : vector<4096x1024xi1>, vector<4096x1024xi32>
    %reduce_min3A_21 = arith.constant dense<2147483647> : vector<4096xi32>
    %reduce_min3A_22 = vector.multi_reduction <minsi>, %select_n3A, %reduce_min3A_21 [1] : vector<4096x1024xi32> to vector<4096xi32>
    %broadcast_in_dim3A_23 = vector.shape_cast %reduce_min3A_22 : vector<4096xi32> to vector<4096x1xi32>
    %convert_element_type3A = arith.trunci %broadcast_in_dim3A_23 : vector<4096x1xi32> to vector<4096x1xi16>
    %swap3A = arith.constant 0 : index
    %swap3A_24 = arith.constant 0 : index
    %swap3A_25 = vector.load %arg3[%swap3A, %swap3A_24] : memref<4096x1xi16, #tpu.memory_space<vmem>>, vector<4096x1xi16>
    tpu.vector_store %arg3[%swap3A, %swap3A_24], %convert_element_type3A {strides = array<i32>} : memref<4096x1xi16, #tpu.memory_space<vmem>>, vector<4096x1xi16>,
    %eq3A_26 = arith.constant 0 : i32
    %eq3A_27 = arith.cmpi eq, %arg0, %eq3A_26 : i32
    %convert_element_type3A_28 = arith.extui %eq3A_27 : i1 to i32
    %cond3A = arith.constant 0 : i32
    %cond3A_29 = arith.cmpi ne, %convert_element_type3A_28, %cond3A : i32
    scf.if %cond3A_29 {
      %swap3A_51 = arith.constant 0.000000e+00 : f32
      %swap3A_52 = arith.constant 0 : index
      %swap3A_53 = arith.constant 0 : index
      %swap3A_54 = memref.load %arg5[%swap3A_52, %swap3A_53] : memref<1x1xf32, #tpu.memory_space<smem>>
      memref.store %swap3A_51, %arg5[%swap3A_52, %swap3A_53] : memref<1x1xf32, #tpu.memory_space<smem>>
    } else {
    }
    %get3A_30 = arith.constant 0 : index
    %get3A_31 = arith.constant 0 : index
    %get3A_32 = memref.load %arg5[%get3A_30, %get3A_31] : memref<1x1xf32, #tpu.memory_space<smem>>
    %reduce_sum3A_33 = vector.shape_cast %broadcast_in_dim3A_18 : vector<4096x1xf32> to vector<1x4096x1xf32>
    %reduce_sum3A_34 = arith.constant dense<0.000000e+00> : vector<1xf32>
    %reduce_sum3A_35 = vector.multi_reduction <add>, %reduce_sum3A_33, %reduce_sum3A_34 [1, 2] : vector<1x4096x1xf32> to vector<1xf32>
    %reduce_sum3A_36 = vector.shape_cast %reduce_sum3A_35 : vector<1xf32> to vector<1x1x1xf32>
    %reduce_sum3A_37 = vector.extract %reduce_sum3A_36[0, 0, 0] : f32 from vector<1x1x1xf32>
    %add3A_38 = arith.addf %get3A_32, %reduce_sum3A_37 : f32
    %swap3A_39 = arith.constant 0 : index
    %swap3A_40 = arith.constant 0 : index
    %swap3A_41 = memref.load %arg5[%swap3A_39, %swap3A_40] : memref<1x1xf32, #tpu.memory_space<smem>>
    memref.store %add3A_38, %arg5[%swap3A_39, %swap3A_40] : memref<1x1xf32, #tpu.memory_space<smem>>
    %get3A_42 = arith.constant 0 : index
    %get3A_43 = arith.constant 0 : index
    %get3A_44 = memref.load %arg5[%get3A_42, %get3A_43] : memref<1x1xf32, #tpu.memory_space<smem>>
    %mul3A_45 = arith.constant 9.53674316E-7 : f32
    %mul3A_46 = arith.mulf %get3A_44, %mul3A_45 : f32
    %broadcast_in_dim3A_47 = vector.broadcast %mul3A_46 : f32 to vector<1x1xf32>
    %swap3A_48 = arith.constant 0 : index
    %swap3A_49 = arith.constant 0 : index
    %swap3A_50 = vector.load %arg4[%swap3A_48, %swap3A_49] : memref<1x1xf32, #tpu.memory_space<vmem>>, vector<1x1xf32>
    tpu.vector_store %arg4[%swap3A_48, %swap3A_49], %broadcast_in_dim3A_47 {strides = array<i32>} : memref<1x1xf32, #tpu.memory_space<vmem>>, vector<1x1xf32>,
    return
  }
  func.func @transform_0(%arg0: i32) -> (i32, i32) {
    %c0_i32 = arith.constant 0 : i32
    %c0_i32_0 = arith.constant 0 : i32
    return %arg0, %c0_i32 : i32, i32
  }
  func.func @transform_1(%arg0: i32) -> (i32, i32) {
    %c0_i32 = arith.constant 0 : i32
    %c0_i32_0 = arith.constant 0 : i32
    %c0_i32_1 = arith.constant 0 : i32
    return %c0_i32, %c0_i32_0 : i32, i32
  }
  func.func @transform_2(%arg0: i32) -> (i32, i32) {
    %c0_i32 = arith.constant 0 : i32
    %c0_i32_0 = arith.constant 0 : i32
    return %arg0, %c0_i32 : i32, i32
  }
  func.func @transform_3(%arg0: i32) -> (i32, i32) {
    %c0_i32 = arith.constant 0 : i32
    %c0_i32_0 = arith.constant 0 : i32
    %c0_i32_1 = arith.constant 0 : i32
    return %c0_i32, %c0_i32_0 : i32, i32
  }
}

module attributes {stable_mosaic.version = 14 : i64} {
  func.func @_ppl_body(%arg0: memref<32x1024xi32, #tpu.memory_space<vmem>>, %arg1: memref<1x1xf32, #tpu.memory_space<vmem>>) attributes {dimension_semantics = [], scalar_prefetch = 0 : i64, scratch_operands = 0 : i64, tpu.core_type = #tpu.core_type<tc>} {
    %get3A = arith.constant 0 : index
    %get3A_0 = arith.constant 0 : index
    %get3A_1 = vector.load %arg0[%get3A, %get3A_0] : memref<32x1024xi32, #tpu.memory_space<vmem>>, vector<32x1024xi32>
    %convert_element_type3A = arith.sitofp %get3A_1 : vector<32x1024xi32> to vector<32x1024xf32>
    %reduce_sum3A = arith.constant dense<0.000000e+00> : vector<1024xf32>
    %reduce_sum3A_2 = vector.multi_reduction <add>, %convert_element_type3A, %reduce_sum3A [0] : vector<32x1024xf32> to vector<1024xf32>
    %broadcast_in_dim3A = vector.shape_cast %reduce_sum3A_2 : vector<1024xf32> to vector<1x1024xf32>
    %mul3A = arith.constant 6.10351563E-5 : f32
    %mul3A_3 = vector.broadcast %mul3A : f32 to vector<1x1024xf32>
    %mul3A_4 = arith.mulf %broadcast_in_dim3A, %mul3A_3 : vector<1x1024xf32>
    %add3A = arith.constant 1.000000e-10 : f32
    %add3A_5 = vector.broadcast %add3A : f32 to vector<1x1024xf32>
    %add3A_6 = arith.addf %mul3A_4, %add3A_5 : vector<1x1024xf32>
    %log3A = math.log %add3A_6 : vector<1x1024xf32>
    %mul3A_7 = arith.mulf %mul3A_4, %log3A : vector<1x1024xf32>
    %reduce_sum3A_8 = vector.shape_cast %mul3A_7 : vector<1x1024xf32> to vector<1x1x1024xf32>
    %reduce_sum3A_9 = arith.constant dense<0.000000e+00> : vector<1xf32>
    %reduce_sum3A_10 = vector.multi_reduction <add>, %reduce_sum3A_8, %reduce_sum3A_9 [1, 2] : vector<1x1x1024xf32> to vector<1xf32>
    %reduce_sum3A_11 = vector.shape_cast %reduce_sum3A_10 : vector<1xf32> to vector<1x1x1xf32>
    %reduce_sum3A_12 = vector.extract %reduce_sum3A_11[0, 0, 0] : f32 from vector<1x1x1xf32>
    %neg3A = arith.constant 0.000000e+00 : f32
    %neg3A_13 = arith.subf %neg3A, %reduce_sum3A_12 : f32
    %exp3A = math.exp %neg3A_13 : f32
    %broadcast_in_dim3A_14 = vector.broadcast %exp3A : f32 to vector<1x1xf32>
    %swap3A = arith.constant 0 : index
    %swap3A_15 = arith.constant 0 : index
    %swap3A_16 = vector.load %arg1[%swap3A, %swap3A_15] : memref<1x1xf32, #tpu.memory_space<vmem>>, vector<1x1xf32>
    tpu.vector_store %arg1[%swap3A, %swap3A_15], %broadcast_in_dim3A_14 {strides = array<i32>} : memref<1x1xf32, #tpu.memory_space<vmem>>, vector<1x1xf32>,
    return
  }
}

</mosaic_0001>

<sc_bundles>
// kernel: kernel.5.cloned.1.call-start
scs
__scs_entry_jumppad:
0x0: {  	(pc) =	sbr.rel $0x88, $3  }
0x1: {  	(tag) =	ssettag $0x0;
	lr =	simm.s32 $0x1  }
0x2: {  	[smem:$0x3F9F] =	sst lr;
	_ =	strace $0xD0000000  }
0x3: {  	_ = 	snop  }
0x4: {  	_ = 	snop  }
0x5: {  	_ = 	snop  }
0x6: {  	_ = 	snop  }
0x7: {  	_ = 	snop  }
__scs_overlays_trampoline_lowered:
0x8: {  	[smem:$0x3FAE] =	sst s0  }
0x9: {  	[smem:$0x3FAF] =	sst s1  }
0xa: {  	[smem:$0x3FB0] =	sst s2  }
0xb: {  	[smem:$0x3FB1] =	sst s3  }
0xc: {  	[smem:$0x3FB2] =	sst s4  }
0xd: {  	[smem:$0x3FB3] =	sst s5  }
0xe: {  	[smem:$0x3FB4] =	sst s6  }
0xf: {  	[smem:$0x3FB5] =	sst s7  }
0x10: {  	[smem:$0x3FB6] =	sst s8  }
0x11: {  	[smem:$0x3FB7] =	sst s9;
	s0 =	simm.s32 @!p0 $0x0  }
0x12: {  	s1 =	sld [smem:$0x3F9D];
	s0 =	simm.s32 @p0 $0x1  }
0x13: {  	[smem:$0x3FB8] =	sst s0;
	s0 =	simm.s32 @!p1 $0x0  }
0x14: {  	s2 =	sld [smem:$0x3F9C];
	s0 =	simm.s32 @p1 $0x1  }
0x15: {  	[smem:$0x3FB9] =	sst s0;
	s0 =	simm.s32 @!p2 $0x0  }
0x16: {  	s3 =	sld [smem:$0x3FDB];
	s0 =	simm.s32 @p2 $0x1  }
0x17: {  	s4 =	simm.s32 $0x1BF5;
	[smem:$0x3FBB] =	sst s0  }
0x18: {  	s0 =	sld [smem:$0x3F9E];
	_ =	swait.ge [sflag:s4], $0x0  }
0x19: {  	s7 =	sld [smem:$0x3F9F]  }
0x1a: {  	s8 =	sadd.s32 $0xFFFFE003, lr  }
0x1b: {  	s9 =	sadd.s32 $0xFFFFFEF7, lr;
	s5 =	simm.s32 $0xFFFFFFFF;
	p2 =	slt.u32 s8, $0xFFFFF086  }
0x1c: {  	p1 =	slt.u32 s9, $0xF7A;
	s5 =	simm.s32 @!p2 $0x0  }
0x1d: {  	s5 =	simm.s32 @p1 $0x1;
	p0 =	seq.s32 s7, s2  }
0x1e: {  	s7 =	smul.u32 @!p0 $0xF7A, s2;
	p2 =	seq.s32 @!p0 s5, $0x0  }
0x1f: {  	s9 =	smul.u32 $0xF7A, s1;
	s8 =	simm.s32 @!p0 $0x1BF5;
	p2 =	por !p2, p0  }
0x20: {  	[sflag:s8] =	ssyncset.s32 @!p0 $0xFFFFF086;
	s6 =	sadd.s32 @!p0 s3, s7;
	s7 =	simm.s32 @!p0 $0x108  }
0x21: {  	s3 =	sadd.s32 s3, s9;
	s6 =	sadd.s32 @!p0 $0x88, s6;
	s7 =	simm.s32 @p2 $0x1082  }
0x22: {  	[simem:s7], [sflag:s8] =	dma.local @!p0 [hbm:s6], $0xF7A  }
0x23: {  	s9 =	sor.u32 $0xD0000000, s2;
	s6 =	simm.s32 $0x108;
	_ =	swait.ge @!p0 [sflag:s8], $0x0  }
0x24: {  	s3 =	sadd.s32 $0x88, s3;
	s6 =	simm.s32 @!p1 $0x1082;
	[sflag:s4] =	ssyncset.s32 $0xFFFFF086  }
0x25: {  	[simem:s6], [sflag:s4] =	dma.local [hbm:s3], $0xF7A  }
0x26: {  	[smem:$0x3F9F] =	sst s1;
	(tag) =	ssettag s2;
	_ =	strace s9  }
0x27: {  	s1 =	sld [smem:$0x3FAF]  }
0x28: {  	s2 =	sld [smem:$0x3FB0]  }
0x29: {  	s4 =	sld [smem:$0x3FB2]  }
0x2a: {  	p0 =	seq.s32 s5, $0x0;
	s5 =	sld [smem:$0x3FB3]  }
0x2b: {  	s6 =	sld [smem:$0x3FB4]  }
0x2c: {  	s7 =	sld [smem:$0x3FB5]  }
0x2d: {  	s3 =	simm.s32 $0x108;
	s8 =	sld [smem:$0x3FB6]  }
0x2e: {  	s3 =	simm.s32 @!p0 $0x1082;
	s9 =	sld [smem:$0x3FB7]  }
0x2f: {  	lr =	sadd.s32 s0, s3;
	s0 =	sld [smem:$0x3FAE]  }
0x30: {  	s3 =	sld [smem:$0x3FB1]  }
0x31: {  	[smem:$0x3FBA] =	sst s10  }
0x32: {  	s10 =	sld [smem:$0x3FB8];
	_ =	sdelay $0x3  }
0x33: {  	p0 =	seq.s32 s10, $0x1;
	s10 =	sld [smem:$0x3FBA];
	_ =	sdelay $0x3  }
0x34: {  	[smem:$0x3FBA] =	sst s10  }
0x35: {  	s10 =	sld [smem:$0x3FB9];
	_ =	sdelay $0x3  }
0x36: {  	p1 =	seq.s32 s10, $0x1;
	s10 =	sld [smem:$0x3FBA];
	_ =	sdelay $0x3  }
0x37: {  	[smem:$0x3FBA] =	sst s10  }
0x38: {  	s10 =	sld [smem:$0x3FBB]  }
0x39: {  	_ = 	snop;
	(pc) =	sbr.ind lr, $3  }
0x3a: {  	_ = 	snop  }
0x3b: {  	_ = 	snop  }
0x3c: {  	p2 =	seq.s32 s10, $0x1;
	s10 =	sld [smem:$0x3FBA]  }
0x3d: {  	_ =	shalt  }
0x3e: {  	_ =	shalt  }
0x3f: {  	_ =	shalt  }
0x40: {  	_ =	shalt  }
0x41: {  	_ =	shalt  }
0x42: {  	_ =	shalt  }
0x43: {  	_ =	shalt  }
0x44: {  	_ =	shalt  }
0x45: {  	_ =	shalt  }
0x46: {  	_ =	shalt  }
0x47: {  	_ =	shalt  }
0x48: {  	_ =	shalt  }
0x49: {  	_ =	shalt  }
0x4a: {  	_ =	shalt  }
0x4b: {  	_ =	shalt  }
0x4c: {  	_ =	shalt  }
0x4d: {  	_ =	shalt  }
0x4e: {  	_ =	shalt  }
0x4f: {  	_ =	shalt  }
0x50: {  	_ =	shalt  }
0x51: {  	_ =	shalt  }
0x52: {  	_ =	shalt  }
0x53: {  	_ =	shalt  }
0x54: {  	_ =	shalt  }
0x55: {  	_ =	shalt  }
0x56: {  	_ =	shalt  }
0x57: {  	_ =	shalt  }
0x58: {  	_ =	shalt  }
0x59: {  	_ =	shalt  }
0x5a: {  	_ =	shalt  }
0x5b: {  	_ =	shalt  }
0x5c: {  	_ =	shalt  }
0x5d: {  	_ =	shalt  }
0x5e: {  	_ =	shalt  }
0x5f: {  	_ =	shalt  }
0x60: {  	_ =	shalt  }
0x61: {  	_ =	shalt  }
0x62: {  	_ =	shalt  }
0x63: {  	_ =	shalt  }
0x64: {  	_ =	shalt  }
0x65: {  	_ =	shalt  }
0x66: {  	_ =	shalt  }
0x67: {  	_ =	shalt  }
0x68: {  	_ =	shalt  }
0x69: {  	_ =	shalt  }
0x6a: {  	_ =	shalt  }
0x6b: {  	_ =	shalt  }
0x6c: {  	_ =	shalt  }
0x6d: {  	_ =	shalt  }
0x6e: {  	_ =	shalt  }
0x6f: {  	_ =	shalt  }
0x70: {  	_ =	shalt  }
0x71: {  	_ =	shalt  }
0x72: {  	_ =	shalt  }
0x73: {  	_ =	shalt  }
0x74: {  	_ =	shalt  }
0x75: {  	_ =	shalt  }
0x76: {  	_ =	shalt  }
0x77: {  	_ =	shalt  }
0x78: {  	_ =	shalt  }
0x79: {  	_ =	shalt  }
0x7a: {  	_ =	shalt  }
0x7b: {  	_ =	shalt  }
0x7c: {  	_ =	shalt  }
0x7d: {  	_ =	shalt  }
0x7e: {  	_ =	shalt  }
0x7f: {  	_ =	shalt  }
0x80: {  	_ =	shalt  }
0x81: {  	_ =	shalt  }
0x82: {  	_ =	shalt  }
0x83: {  	_ =	shalt  }
0x84: {  	_ =	shalt  }
0x85: {  	_ =	shalt  }
0x86: {  	_ =	shalt  }
0x87: {  	_ =	shalt  }
.Lfunc_end0:
.L_simem_size_0:
called_computation_lowered:
.L_overlay_start_0:
0x88: {  	s2 =	sld [smem:$0x3FD9]  }
0x89: {  	s3 =	sld [smem:$0x3FFE];
	_ =	sdelay $0x1  }
0x8a: {  	s1 =	srdreg.scid  }
0x8b: {  	s0 =	sand.u32 $0x1, s1  }
0x8c: {  	s14 =	sshll.u32 s0, $0xA;
	s2 =	sadd.s32 s3, s2  }
0x8d: {  	s2 =	sadd.s32 s2, s14  }
0x8e: {  	[smem:$0x3FC6] =	sst s2  }
0x8f: {  	_ = 	snop  }
0x90: {  	s2 =	sld [smem:$0x3FD0];
	_ =	sdelay $0x2  }
0x91: {  	s15 =	simm.s32 $0xA;
	s4 =	simm.s32 $0x10  }
0x92: {  	[smem:s4], [sflag:s15] =	dma.local [hbm:s2], $0x1  }
0x93: {  	_ =	swait.eq [sflag:s15], $0x1  }
0x94: {  	[sflag:s15] =	ssyncset.done $0x0  }
0x95: {  	[sflag:s15] =	ssyncadd.s32 $0xFFFFFFFF  }
0x96: {  	s16 =	sld [smem:$0x10];
	(tm) =	ssettm $0x1  }
0x97: {  	s17 =	sld [smem:$0x3FFB];
	_ =	sdelay $0x3  }
0x98: {  	_ =	strace s17  }
0x99: {  	s3 =	sld [smem:$0x3FFC];
	_ =	sdelay $0x3  }
0x9a: {  	_ =	strace s3  }
0x9b: {  	s3 =	sld [smem:$0x3FFD];
	_ =	sdelay $0x3  }
0x9c: {  	_ =	strace s3  }
0x9d: {  	_ =	strace $0x8FFFFFFF  }
0x9e: {  	s18 =	sld [smem:$0x3FDB];
	_ =	sdelay $0x1  }
0x9f: {  	s19 =	simm.s32 $_scs_section_size  }
0xa0: {  	s5 =	simm.s32 $_size__tile_overlayer_lowered;
	s6 =	simm.s32 $_tile_overlayer_lowered  }
0xa1: {  	s22 =	simm.s32 $0x1BFF;
	s21 =	sshll.u32 s6, $0x1;
	s3 =	sadd.s32 s19, s18  }
0xa2: {  	s7 =	simm.s32 $0x0;
	s20 =	sshll.u32 s5, $0x1;
	s5 =	sadd.s32 s21, s3  }
0xa3: {  	[timem:s7], [sflag:s22] =	dma.local [hbm:s5], s20  }
0xa4: {  	_ =	swait.ge [sflag:s22], s20  }
0xa5: {  	s4 =	ssub.s32 $0x0, s20;
	[sflag:s22] =	ssyncset.done $0x0  }
0xa6: {  	[sflag:s22] =	ssyncadd.s32 s4;
	_ =	sdelay $0x1  }
0xa7: {  	s23 =	simm.s32 $0x1B8B  }
0xa8: {  	_ =	swait.ge [sflag:s23], $0x1  }
0xa9: {  	[sflag:s23] =	ssyncset.done $0x0  }
0xaa: {  	s25 =	simm.s32 $0x1B8E;
	s24 =	sld [smem:$0x3FFE];
	[sflag:s23] =	ssyncadd.s32 $0xFFFFFFFF  }
0xab: {  	s26 =	simm.s32 $execute0_lowered;
	[smem:$0x3FD2] =	sst s25  }
0xac: {  	s5 =	sshll.u32 s26, $0x1;
	_ =	strace $0x80000046;
	[dreg:$0x1] =	wrdreg $0xFFFFFFFF  }
0xad: {  	s28 =	simm.s32 $_size_execute0_lowered;
	s3 =	sadd.s32 s3, s5;
	[dreg:$0x0] =	wrdreg $0x0  }
0xae: {  	s5 =	sshll.u32 s28, $0x1;
	[dreg:$0x2] =	wrdreg s3  }
0xaf: {  	[dreg:$0x3] =	wrdreg s5  }
0xb0: {  	[dreg:$0x4] =	wrdreg $0xC0  }
0xb1: {  	_ =	task [dreg:s7], $0x5FFFF  }
0xb2: {  	[dreg:$0x1] =	wrdreg $0xFFFFFFFF  }
0xb3: {  	[dreg:$0x0] =	wrdreg $0x60  }
0xb4: {  	[dreg:$0x2] =	wrdreg s24  }
0xb5: {  	[dreg:$0x3] =	wrdreg s16  }
0xb6: {  	[dreg:$0x4] =	wrdreg $0x9  }
0xb7: {  	_ =	task.clear_ibuf [dreg:s7], $0x5FFFF;
	_ =	strace $0x90000046  }
0xb8: {  	s29 =	simm.s32 $0x9;
	_ =	strace $0x80000048  }
0xb9: {  	_ =	swait.ge [sflag:s29], $0x1  }
0xba: {  	[sflag:s29] =	ssyncadd.s32 $0xFFFFFFFF  }
0xbb: {  	_ =	strace $0x90000048  }
0xbc: {  	_ =	sfence  }
0xbd: {  	s30 =	sld [smem:$0x0];
	_ =	sdelay $0x2  }
0xbe: {  	s31 =	sshll.u32 s1, $0xD;
	s1 =	sshrl.u32 s1, $0x2  }
0xbf: {  	s3 =	sand.u32 $0x4000, s31;
	s1 =	sadd.s32 s1, s30  }
0xc0: {  	s0 =	sor.u32 s3, s0;
	s1 =	sshll.u32 s1, $0x11  }
0xc1: {  	s0 =	sor.u32 s1, s0  }
0xc2: {  	s0 =	sadd.s32 $0x8F2B, s0  }
0xc3: {  	[sflag:s0] =	ssyncadd.remote.s32 $0x1  }
0xc4: {  	_ =	sfence.sel $0xFFFF  }
0xc5: {  	[dreg:$0x0] =	wrdreg $0xFFFFFFFF;
	(pc) =	sbr.abs _section_cstart, $3  }
0xc6: {  	[dreg:$0x1] =	wrdreg $0xFFFFFFFF  }
0xc7: {  	_ =	task.clear_ibuf [dreg:s7], $0x2FFFF;
	_ =	strace $0x9FFFFFFF  }
0xc8: {  	(tm) =	ssettm $0x7FFFFFFF  }
0xc9: {  	_ =	shalt  }
tec
execute0_lowered:
.L_overlay_start_1:
0x0: {  	(tag) =	ssettag $0x1  }
0x1: {  	s4 =	rddreg [dreg:$0x0];
	s1 =	srdreg.scid  }
0x2: {  	s0 =	stileid.u32;
	s5 =	rddreg [dreg:$0x1]  }
0x3: {  	s2 =	simm.s32 $0x0;
	s11 =	simm.s32 $0x2200;
	s12 =	simm.s32 $0x100  }
0x4: {  	s13 =	simm.s32 $0x4200;
	s14 =	simm.s32 $0x180;
	s15 =	simm.s32 $0x6200  }
0x5: {  	s16 =	simm.s32 $0x8200;
	s6 =	sand.u32 $0x1, s1;
	s1 =	rddreg [dreg:$0x2]  }
0x6: {  	s17 =	simm.s32 $0x1;
	s3 =	sshll.u32 s0, $0x1;
	[smem:$0x7FF] =	sst s2  }
0x7: {  	s7 =	sor.u32 s6, s3;
	_ =	strace $0x80000047;
	s6 =	ssub.s32 $0x2, s6  }
0x8: {  	s3 =	sshll.u32 s7, $0x6;
	s9 =	sshll.u32 s7, $0x7;
	s31 =	sshrl.u32 s6, $0x1  }
0x9: {  	s7 =	sshll.u32 s7, $0xC;
	s8 =	sadd.s32 s3, s4;
	s3 =	sadd.s32 $0x1400, s4  }
0xa: {  	s9 =	sadd.s32 s9, s4;
	s10 =	ssub.s32 s6, s31;
	s5 =	sadd.s32 s5, s7  }
0xb: {  	s4 =	sadd.s32 $0xC00, s8;
	s6 =	sadd.s32 $0x3400, s9;
	s7 =	smax.u32 s10, $0x1  }
0xc: {  	v0 =	vimm.s32 $0x0;
	s8 =	simm.s32 $0x2;
	s9 =	simm.s32 $0x80;
	s10 =	simm.s32 $0x200  }
.LBB2_1:
0xd: {  	[tilespmem:s2], [sflag:$0x2] =	stream.linear.gather [hbm4b:s4+s2], $0x200, $0x38;
	[tilespmem:$0x8600] =	vst v63  }
0xe: {  	_ =	swait.ge [sflag:s8], $0x200  }
0xf: {  	[sflag:s8] =	ssyncset.done $0x0  }
0x10: {  	[sflag:s8] =	ssyncadd.s32 $0xFFFFFE00  }
0x11: {  	[tilespmem:s10], [sflag:$0x1] =	stream.indirect.gather [hbm4b:s3+s9], $0x40, s2, s9, $0xb8;
	[tilespmem:$0x8600] =	vst v63  }
0x12: {  	_ = 	snop  }
0x13: {  	[tilespmem:s11], [sflag:$0x1] =	stream.indirect.gather [hbm4b:s3+s9], $0x40, s9, s9, $0xb8;
	[tilespmem:$0x8600] =	vst v63  }
0x14: {  	_ = 	snop  }
0x15: {  	[tilespmem:s13], [sflag:$0x1] =	stream.indirect.gather [hbm4b:s3+s9], $0x40, s12, s9, $0xb8;
	[tilespmem:$0x8600] =	vst v63  }
0x16: {  	_ = 	snop  }
0x17: {  	[tilespmem:s15], [sflag:$0x1] =	stream.indirect.gather [hbm4b:s3+s9], $0x40, s14, s9, $0xb8;
	[tilespmem:$0x8600] =	vst v63  }
0x18: {  	[tilespmem:$0x8200] =	vst v0  }
0x19: {  	[tilespmem:$0x8210] =	vst v0  }
0x1a: {  	[tilespmem:$0x8220] =	vst v0  }
0x1b: {  	[tilespmem:$0x8230] =	vst v0  }
0x1c: {  	[tilespmem:$0x8240] =	vst v0  }
0x1d: {  	[tilespmem:$0x8250] =	vst v0  }
0x1e: {  	[tilespmem:$0x8260] =	vst v0  }
0x1f: {  	[tilespmem:$0x8270] =	vst v0  }
0x20: {  	[tilespmem:$0x8280] =	vst v0  }
0x21: {  	[tilespmem:$0x8290] =	vst v0  }
0x22: {  	[tilespmem:$0x82A0] =	vst v0  }
0x23: {  	[tilespmem:$0x82B0] =	vst v0  }
0x24: {  	[tilespmem:$0x82C0] =	vst v0  }
0x25: {  	[tilespmem:$0x82D0] =	vst v0  }
0x26: {  	[tilespmem:$0x82E0] =	vst v0  }
0x27: {  	[tilespmem:$0x82F0] =	vst v0  }
0x28: {  	[tilespmem:$0x8300] =	vst v0  }
0x29: {  	[tilespmem:$0x8310] =	vst v0  }
0x2a: {  	[tilespmem:$0x8320] =	vst v0  }
0x2b: {  	[tilespmem:$0x8330] =	vst v0  }
0x2c: {  	[tilespmem:$0x8340] =	vst v0  }
0x2d: {  	[tilespmem:$0x8350] =	vst v0  }
0x2e: {  	[tilespmem:$0x8360] =	vst v0  }
0x2f: {  	[tilespmem:$0x8370] =	vst v0  }
0x30: {  	[tilespmem:$0x8380] =	vst v0  }
0x31: {  	[tilespmem:$0x8390] =	vst v0  }
0x32: {  	[tilespmem:$0x83A0] =	vst v0  }
0x33: {  	[tilespmem:$0x83B0] =	vst v0  }
0x34: {  	[tilespmem:$0x83C0] =	vst v0  }
0x35: {  	[tilespmem:$0x83D0] =	vst v0  }
0x36: {  	[tilespmem:$0x83E0] =	vst v0  }
0x37: {  	[tilespmem:$0x83F0] =	vst v0  }
0x38: {  	[tilespmem:$0x8400] =	vst v0  }
0x39: {  	[tilespmem:$0x8410] =	vst v0  }
0x3a: {  	[tilespmem:$0x8420] =	vst v0  }
0x3b: {  	[tilespmem:$0x8430] =	vst v0  }
0x3c: {  	[tilespmem:$0x8440] =	vst v0  }
0x3d: {  	[tilespmem:$0x8450] =	vst v0  }
0x3e: {  	[tilespmem:$0x8460] =	vst v0  }
0x3f: {  	[tilespmem:$0x8470] =	vst v0;
	v1 =	vld [tilespmem:$0x0]  }
0x40: {  	[tilespmem:$0x8480] =	vst v0  }
0x41: {  	[tilespmem:$0x8490] =	vst v0  }
0x42: {  	[tilespmem:$0x84A0] =	vst v0  }
0x43: {  	[tilespmem:$0x84B0] =	vst v0  }
0x44: {  	[tilespmem:$0x84C0] =	vst v0;
	(xrf1) =	vunique.msk.u32 $0xffff, v1  }
0x45: {  	[tilespmem:$0x84D0] =	vst v0  }
0x46: {  	[tilespmem:$0x84E0] =	vst v0  }
0x47: {  	[tilespmem:$0x84F0] =	vst v0  }
0x48: {  	[tilespmem:$0x8500] =	vst v0  }
0x49: {  	[tilespmem:$0x8510] =	vst v0  }
0x4a: {  	[tilespmem:$0x8520] =	vst v0  }
0x4b: {  	[tilespmem:$0x8530] =	vst v0  }
0x4c: {  	[tilespmem:$0x8540] =	vst v0  }
0x4d: {  	[tilespmem:$0x8550] =	vst v0  }
0x4e: {  	[tilespmem:$0x8560] =	vst v0  }
0x4f: {  	[tilespmem:$0x8570] =	vst v0  }
0x50: {  	[tilespmem:$0x8580] =	vst v0  }
0x51: {  	[tilespmem:$0x8590] =	vst v0  }
0x52: {  	[tilespmem:$0x85A0] =	vst v0;
	_, v2, vm0 =	vpop (xrf1)  }
0x53: {  	[tilespmem:$0x85B0] =	vst v0  }
0x54: {  	[tilespmem:$0x85C0] =	vst v0  }
0x55: {  	[tilespmem:$0x85D0] =	vst v0  }
0x56: {  	[tilespmem:$0x85E0] =	vst v0  }
0x57: {  	[tilespmem:$0x85F0] =	vst v0  }
0x58: {  	[tilespmem:v1+s16+$0x0] =	vst.idx.add.s32.msk vm0, v2  }
0x59: {  	v1 =	vld [tilespmem:$0x10];
	_ =	sdelay $0x4  }
0x5a: {  	(xrf1) =	vunique.msk.u32 $0xffff, v1;
	_ =	sdelay $0xd  }
0x5b: {  	_, v2, vm0 =	vpop (xrf1);
	_ =	sdelay $0x5  }
0x5c: {  	[tilespmem:v1+s16+$0x0] =	vst.idx.add.s32.msk vm0, v2  }
0x5d: {  	v1 =	vld [tilespmem:$0x20];
	_ =	sdelay $0x4  }
0x5e: {  	(xrf1) =	vunique.msk.u32 $0xffff, v1;
	_ =	sdelay $0xd  }
0x5f: {  	_, v2, vm0 =	vpop (xrf1);
	_ =	sdelay $0x5  }
0x60: {  	[tilespmem:v1+s16+$0x0] =	vst.idx.add.s32.msk vm0, v2  }
0x61: {  	v1 =	vld [tilespmem:$0x30];
	_ =	sdelay $0x4  }
0x62: {  	(xrf1) =	vunique.msk.u32 $0xffff, v1;
	_ =	sdelay $0xd  }
0x63: {  	_, v2, vm0 =	vpop (xrf1);
	_ =	sdelay $0x5  }
0x64: {  	[tilespmem:v1+s16+$0x0] =	vst.idx.add.s32.msk vm0, v2  }
0x65: {  	v1 =	vld [tilespmem:$0x40];
	_ =	sdelay $0x4  }
0x66: {  	(xrf1) =	vunique.msk.u32 $0xffff, v1;
	_ =	sdelay $0xd  }
0x67: {  	_, v2, vm0 =	vpop (xrf1);
	_ =	sdelay $0x5  }
0x68: {  	[tilespmem:v1+s16+$0x0] =	vst.idx.add.s32.msk vm0, v2  }
0x69: {  	v1 =	vld [tilespmem:$0x50];
	_ =	sdelay $0x4  }
0x6a: {  	(xrf1) =	vunique.msk.u32 $0xffff, v1;
	_ =	sdelay $0xd  }
0x6b: {  	_, v2, vm0 =	vpop (xrf1);
	_ =	sdelay $0x5  }
0x6c: {  	[tilespmem:v1+s16+$0x0] =	vst.idx.add.s32.msk vm0, v2  }
0x6d: {  	v1 =	vld [tilespmem:$0x60];
	_ =	sdelay $0x4  }
0x6e: {  	(xrf1) =	vunique.msk.u32 $0xffff, v1;
	_ =	sdelay $0xd  }
0x6f: {  	_, v2, vm0 =	vpop (xrf1);
	_ =	sdelay $0x5  }
0x70: {  	[tilespmem:v1+s16+$0x0] =	vst.idx.add.s32.msk vm0, v2  }
0x71: {  	v1 =	vld [tilespmem:$0x70];
	_ =	sdelay $0x4  }
0x72: {  	(xrf1) =	vunique.msk.u32 $0xffff, v1;
	_ =	sdelay $0xd  }
0x73: {  	_, v2, vm0 =	vpop (xrf1);
	_ =	sdelay $0x5  }
0x74: {  	[tilespmem:v1+s16+$0x0] =	vst.idx.add.s32.msk vm0, v2  }
0x75: {  	v1 =	vld [tilespmem:$0x80];
	_ =	sdelay $0x4  }
0x76: {  	(xrf1) =	vunique.msk.u32 $0xffff, v1;
	_ =	sdelay $0xd  }
0x77: {  	_, v2, vm0 =	vpop (xrf1);
	_ =	sdelay $0x5  }
0x78: {  	[tilespmem:v1+s16+$0x0] =	vst.idx.add.s32.msk vm0, v2  }
0x79: {  	v1 =	vld [tilespmem:$0x90];
	_ =	sdelay $0x4  }
0x7a: {  	(xrf1) =	vunique.msk.u32 $0xffff, v1;
	_ =	sdelay $0xd  }
0x7b: {  	_, v2, vm0 =	vpop (xrf1);
	_ =	sdelay $0x5  }
0x7c: {  	[tilespmem:v1+s16+$0x0] =	vst.idx.add.s32.msk vm0, v2  }
0x7d: {  	v1 =	vld [tilespmem:$0xA0];
	_ =	sdelay $0x4  }
0x7e: {  	(xrf1) =	vunique.msk.u32 $0xffff, v1;
	_ =	sdelay $0xd  }
0x7f: {  	_, v2, vm0 =	vpop (xrf1);
	_ =	sdelay $0x5  }
0x80: {  	[tilespmem:v1+s16+$0x0] =	vst.idx.add.s32.msk vm0, v2  }
0x81: {  	v1 =	vld [tilespmem:$0xB0];
	_ =	sdelay $0x4  }
0x82: {  	(xrf1) =	vunique.msk.u32 $0xffff, v1;
	_ =	sdelay $0xd  }
0x83: {  	_, v2, vm0 =	vpop (xrf1);
	_ =	sdelay $0x5  }
0x84: {  	[tilespmem:v1+s16+$0x0] =	vst.idx.add.s32.msk vm0, v2  }
0x85: {  	v1 =	vld [tilespmem:$0xC0];
	_ =	sdelay $0x4  }
0x86: {  	(xrf1) =	vunique.msk.u32 $0xffff, v1;
	_ =	sdelay $0xd  }
0x87: {  	_, v2, vm0 =	vpop (xrf1);
	_ =	sdelay $0x5  }
0x88: {  	[tilespmem:v1+s16+$0x0] =	vst.idx.add.s32.msk vm0, v2  }
0x89: {  	v1 =	vld [tilespmem:$0xD0];
	_ =	sdelay $0x4  }
0x8a: {  	(xrf1) =	vunique.msk.u32 $0xffff, v1;
	_ =	sdelay $0xd  }
0x8b: {  	_, v2, vm0 =	vpop (xrf1);
	_ =	sdelay $0x5  }
0x8c: {  	[tilespmem:v1+s16+$0x0] =	vst.idx.add.s32.msk vm0, v2  }
0x8d: {  	v1 =	vld [tilespmem:$0xE0];
	_ =	sdelay $0x4  }
0x8e: {  	(xrf1) =	vunique.msk.u32 $0xffff, v1;
	_ =	sdelay $0xd  }
0x8f: {  	_, v2, vm0 =	vpop (xrf1);
	_ =	sdelay $0x5  }
0x90: {  	[tilespmem:v1+s16+$0x0] =	vst.idx.add.s32.msk vm0, v2  }
0x91: {  	v1 =	vld [tilespmem:$0xF0];
	_ =	sdelay $0x4  }
0x92: {  	(xrf1) =	vunique.msk.u32 $0xffff, v1;
	_ =	sdelay $0xd  }
0x93: {  	_, v2, vm0 =	vpop (xrf1);
	_ =	sdelay $0x5  }
0x94: {  	[tilespmem:v1+s16+$0x0] =	vst.idx.add.s32.msk vm0, v2  }
0x95: {  	v1 =	vld [tilespmem:$0x100];
	_ =	sdelay $0x4  }
0x96: {  	(xrf1) =	vunique.msk.u32 $0xffff, v1;
	_ =	sdelay $0xd  }
0x97: {  	_, v2, vm0 =	vpop (xrf1);
	_ =	sdelay $0x5  }
0x98: {  	[tilespmem:v1+s16+$0x0] =	vst.idx.add.s32.msk vm0, v2  }
0x99: {  	v1 =	vld [tilespmem:$0x110];
	_ =	sdelay $0x4  }
0x9a: {  	(xrf1) =	vunique.msk.u32 $0xffff, v1;
	_ =	sdelay $0xd  }
0x9b: {  	_, v2, vm0 =	vpop (xrf1);
	_ =	sdelay $0x5  }
0x9c: {  	[tilespmem:v1+s16+$0x0] =	vst.idx.add.s32.msk vm0, v2  }
0x9d: {  	v1 =	vld [tilespmem:$0x120];
	_ =	sdelay $0x4  }
0x9e: {  	(xrf1) =	vunique.msk.u32 $0xffff, v1;
	_ =	sdelay $0xd  }
0x9f: {  	_, v2, vm0 =	vpop (xrf1);
	_ =	sdelay $0x5  }
0xa0: {  	[tilespmem:v1+s16+$0x0] =	vst.idx.add.s32.msk vm0, v2  }
0xa1: {  	v1 =	vld [tilespmem:$0x130];
	_ =	sdelay $0x4  }
0xa2: {  	(xrf1) =	vunique.msk.u32 $0xffff, v1;
	_ =	sdelay $0xd  }
0xa3: {  	_, v2, vm0 =	vpop (xrf1);
	_ =	sdelay $0x5  }
0xa4: {  	[tilespmem:v1+s16+$0x0] =	vst.idx.add.s32.msk vm0, v2  }
0xa5: {  	v1 =	vld [tilespmem:$0x140];
	_ =	sdelay $0x4  }
0xa6: {  	(xrf1) =	vunique.msk.u32 $0xffff, v1;
	_ =	sdelay $0xd  }
0xa7: {  	_, v2, vm0 =	vpop (xrf1);
	_ =	sdelay $0x5  }
0xa8: {  	[tilespmem:v1+s16+$0x0] =	vst.idx.add.s32.msk vm0, v2  }
0xa9: {  	v1 =	vld [tilespmem:$0x150];
	_ =	sdelay $0x4  }
0xaa: {  	(xrf1) =	vunique.msk.u32 $0xffff, v1;
	_ =	sdelay $0xd  }
0xab: {  	_, v2, vm0 =	vpop (xrf1);
	_ =	sdelay $0x5  }
0xac: {  	[tilespmem:v1+s16+$0x0] =	vst.idx.add.s32.msk vm0, v2  }
0xad: {  	v1 =	vld [tilespmem:$0x160];
	_ =	sdelay $0x4  }
0xae: {  	(xrf1) =	vunique.msk.u32 $0xffff, v1;
	_ =	sdelay $0xd  }
0xaf: {  	_, v2, vm0 =	vpop (xrf1);
	_ =	sdelay $0x5  }
0xb0: {  	[tilespmem:v1+s16+$0x0] =	vst.idx.add.s32.msk vm0, v2  }
0xb1: {  	v1 =	vld [tilespmem:$0x170];
	_ =	sdelay $0x4  }
0xb2: {  	(xrf1) =	vunique.msk.u32 $0xffff, v1;
	_ =	sdelay $0xd  }
0xb3: {  	_, v2, vm0 =	vpop (xrf1);
	_ =	sdelay $0x5  }
0xb4: {  	[tilespmem:v1+s16+$0x0] =	vst.idx.add.s32.msk vm0, v2  }
0xb5: {  	v1 =	vld [tilespmem:$0x180];
	_ =	sdelay $0x4  }
0xb6: {  	(xrf1) =	vunique.msk.u32 $0xffff, v1;
	_ =	sdelay $0xd  }
0xb7: {  	_, v2, vm0 =	vpop (xrf1);
	_ =	sdelay $0x5  }
0xb8: {  	[tilespmem:v1+s16+$0x0] =	vst.idx.add.s32.msk vm0, v2  }
0xb9: {  	v1 =	vld [tilespmem:$0x190];
	_ =	sdelay $0x4  }
0xba: {  	(xrf1) =	vunique.msk.u32 $0xffff, v1;
	_ =	sdelay $0xd  }
0xbb: {  	_, v2, vm0 =	vpop (xrf1);
	_ =	sdelay $0x5  }
0xbc: {  	[tilespmem:v1+s16+$0x0] =	vst.idx.add.s32.msk vm0, v2  }
0xbd: {  	v1 =	vld [tilespmem:$0x1A0];
	_ =	sdelay $0x4  }
0xbe: {  	(xrf1) =	vunique.msk.u32 $0xffff, v1;
	_ =	sdelay $0xd  }
0xbf: {  	_, v2, vm0 =	vpop (xrf1);
	_ =	sdelay $0x5  }
0xc0: {  	[tilespmem:v1+s16+$0x0] =	vst.idx.add.s32.msk vm0, v2  }
0xc1: {  	v1 =	vld [tilespmem:$0x1B0];
	_ =	sdelay $0x4  }
0xc2: {  	(xrf1) =	vunique.msk.u32 $0xffff, v1;
	_ =	sdelay $0xd  }
0xc3: {  	_, v2, vm0 =	vpop (xrf1);
	_ =	sdelay $0x5  }
0xc4: {  	[tilespmem:v1+s16+$0x0] =	vst.idx.add.s32.msk vm0, v2  }
0xc5: {  	v1 =	vld [tilespmem:$0x1C0];
	_ =	sdelay $0x4  }
0xc6: {  	(xrf1) =	vunique.msk.u32 $0xffff, v1;
	_ =	sdelay $0xd  }
0xc7: {  	_, v2, vm0 =	vpop (xrf1);
	_ =	sdelay $0x5  }
0xc8: {  	[tilespmem:v1+s16+$0x0] =	vst.idx.add.s32.msk vm0, v2  }
0xc9: {  	v1 =	vld [tilespmem:$0x1D0];
	_ =	sdelay $0x4  }
0xca: {  	(xrf1) =	vunique.msk.u32 $0xffff, v1;
	_ =	sdelay $0xd  }
0xcb: {  	_, v2, vm0 =	vpop (xrf1);
	_ =	sdelay $0x5  }
0xcc: {  	[tilespmem:v1+s16+$0x0] =	vst.idx.add.s32.msk vm0, v2  }
0xcd: {  	v1 =	vld [tilespmem:$0x1E0];
	_ =	sdelay $0x4  }
0xce: {  	(xrf1) =	vunique.msk.u32 $0xffff, v1;
	_ =	sdelay $0xd  }
0xcf: {  	_, v2, vm0 =	vpop (xrf1);
	_ =	sdelay $0x5  }
0xd0: {  	[tilespmem:v1+s16+$0x0] =	vst.idx.add.s32.msk vm0, v2  }
0xd1: {  	v1 =	vld [tilespmem:$0x1F0];
	_ =	sdelay $0x4  }
0xd2: {  	(xrf1) =	vunique.msk.u32 $0xffff, v1;
	_ =	sdelay $0xd  }
0xd3: {  	_, v2, vm0 =	vpop (xrf1);
	_ =	sdelay $0x5  }
0xd4: {  	[tilespmem:v1+s16+$0x0] =	vst.idx.add.s32.msk vm0, v2  }
0xd5: {  	_ =	swait.ge [sflag:s17], $0x2000  }
0xd6: {  	[sflag:s17] =	ssyncset.done $0x0  }
0xd7: {  	[sflag:s17] =	ssyncadd.s32 $0xFFFFE000  }
0xd8: {  	_ =	swait.ge [sflag:s17], $0x2000  }
0xd9: {  	[sflag:s17] =	ssyncset.done $0x0  }
0xda: {  	[sflag:s17] =	ssyncadd.s32 $0xFFFFE000  }
0xdb: {  	_ =	swait.ge [sflag:s17], $0x2000  }
0xdc: {  	[sflag:s17] =	ssyncset.done $0x0  }
0xdd: {  	[sflag:s17] =	ssyncadd.s32 $0xFFFFE000  }
0xde: {  	_ =	swait.ge [sflag:s17], $0x2000  }
0xdf: {  	[sflag:s17] =	ssyncset.done $0x0  }
0xe0: {  	[sflag:s17] =	ssyncadd.s32 $0xFFFFE000  }
0xe1: {  	[hbm4b:s5+s2] =	stream.linear.scatter [tilespmem:s10], [sflag:$0x2], $0x8000, $0x38;
	[tilespmem:$0x8600] =	vst v63  }
0xe2: {  	_ =	swait.ge [sflag:s8], $0x8000  }
0xe3: {  	p0 =	sne.s32 s7, $0x1;
	[sflag:s8] =	ssyncset.done $0x0  }
.Ltmp0:
0xe4: {  	[sflag:s8] =	ssyncadd.s32 $0xFFFF8000;
	(pc) =	sbr.rel @p0 .LBB2_1-.Ltmp0, $4  }
0xe5: {  	[hbm4b:s6+s2] =	stream.linear.scatter [tilespmem:s16], [sflag:$0x2], $0x400, $0x38;
	[tilespmem:$0x8600] =	vst v63  }
0xe6: {  	_ =	swait.ge [sflag:s8], $0x400  }
0xe7: {  	[sflag:s8] =	ssyncset.done $0x0  }
0xe8: {  	s7 =	sadd.s32 $0xFFFFFFFF, s7;
	[sflag:s8] =	ssyncadd.s32 $0xFFFFFC00  }
0xe9: {  	_ =	sfence.sel $0x180000  }
0xea: {  	[bflag:$0x0] =	sbarrier.arrive $0xFFFF  }
0xeb: {  	p0 =	sne.s32 s0, $0x0;
	_ =	strace $0x90000047  }
0xec: {  	s0 =	sadd.s32 @!p0 $0x100000, s1;
	[bflag:$0x2] =	sbarrier.arrive $0xFFFF  }
0xed: {  	[sflag:s0] =	ssyncadd.tile.s32 @!p0 $0x1;
	_ =	shalt  }
.Lfunc_end2:
_tile_overlayer_lowered:
.L_overlay_start_2:
0xee: {  	(tag) =	ssettag $0x2  }
0xef: {  	s0 =	rddreg [dreg:$0x0];
	s2 =	stileid.u32  }
0xf0: {  	s1 =	rddreg [dreg:$0x1];
	p0 =	sne.s32 s2, $0x0  }
0xf1: {  	s3 =	rddreg [dreg:$0x2];
	[bflag:$0x3] =	sbarrier.arrive $0xFFFF;
	s2 =	simm.s32 @!p0 $0x1C02  }
0xf2: {  	[timem:s3], [sflag:s2] =	dma.local @!p0 [hbm:s0], s1  }
0xf3: {  	s0 =	simm.s32 @!p0 $0x2  }
0xf4: {  	_ =	swait.ge @!p0 [sflag:s0], s1  }
0xf5: {  	s1 =	ssub.s32 @!p0 $0x0, s1;
	[sflag:s0] =	ssyncset.done @!p0 $0x0  }
0xf6: {  	[sflag:s0] =	ssyncadd.s32 @!p0 s1  }
0xf7: {  	[bflag:$0x3] =	sbarrier.arrive $0xFFFF  }
0xf8: {  	_ =	shalt  }

</sc_bundles>
